<compile_context>
chip_gen: v7x
topology: tpu7x:2x2x1
jax: 0.10.2.dev20260603
libtpu: 0.0.44.dev20260713+nightly
codegen_flags: <defaults>
</compile_context>

<pallas_src>
import functools

import jax
import jax.numpy as jnp
from jax import lax
from jax.experimental import pallas as pl
from jax.experimental.pallas import tpu as pltpu
from jax.experimental.pallas import tpu_sc as plsc

_B, _N, _E, _D = 2, 10000, 160000, 128
_TILES = 16
_EPT = _E // _TILES
_CHUNK = 80
_NCHUNK = _EPT // _CHUNK
_RPT = 632


_S = 3
_A = 2


def _sc_scatter_sum(msgs_flat, tgt_4d, zeros):
    mesh = plsc.VectorSubcoreMesh(core_axis_name="c", subcore_axis_name="s")

    @functools.partial(
        pl.kernel,
        out_type=jax.ShapeDtypeStruct((_B * _N, _D), jnp.float32),
        mesh=mesh,
        scratch_types=[
            pltpu.VMEM((_NCHUNK, _CHUNK), jnp.int32),
            pltpu.VMEM((_S, _CHUNK, _D), jnp.float32),
            pltpu.VMEM_SHARED((_N, _D), jnp.float32),
            pltpu.SemaphoreType.DMA,
            pltpu.SemaphoreType.DMA((_S,)),
            pltpu.SemaphoreType.DMA((_S,)),
        ],
    )
    def scatter_kernel(msg_hbm, tgt_hbm, zero_hbm, out_hbm,
                       idx_v, msg_v, acc_sh, isem, lsem, ssem):
        c = lax.axis_index("c")
        s = lax.axis_index("s")
        rbase = pl.multiple_of(jnp.minimum(s * _RPT, _N - _RPT), 8)
        idx_dma = pltpu.async_copy(tgt_hbm.at[c, s], idx_v, isem)
        pltpu.sync_copy(zero_hbm, acc_sh.at[pl.ds(rbase, _RPT)])
        ebase = c * _E + s * _EPT

        def issue_load(b, g):
            off = pl.multiple_of(ebase + g * _CHUNK, 8)
            pltpu.async_copy(msg_hbm.at[pl.ds(off, _CHUNK)], msg_v.at[b],
                             lsem.at[b])

        def wait_load(b):
            pltpu.make_async_copy(msg_hbm.at[pl.ds(0, _CHUNK)], msg_v.at[b],
                                  lsem.at[b]).wait()

        def fire_scatter(b, g):
            pltpu.async_copy(msg_v.at[b], acc_sh.at[idx_v.at[g]], ssem.at[b],
                             add=True)

        def wait_scatter(b):
            pltpu.make_async_copy(msg_v.at[b], acc_sh.at[idx_v.at[0]],
                                  ssem.at[b]).wait()

        for b in range(_A):
            issue_load(b, b)
        idx_dma.wait()
        plsc.subcore_barrier()

        def step(b, t, first=False):
            wait_load(b)
            fire_scatter(b, t)
            bn = (b + _A) % _S
            if not first:
                wait_scatter(bn)
            issue_load(bn, t + _A)

        for t in range(_S):
            step(t % _S, t, first=(t == 0))

        def body(g, carry):
            t0 = g * _S
            for b in range(_S):
                step(b, t0 + b)
            return carry

        n_steady = (_NCHUNK - _A) // _S - 1
        lax.fori_loop(1, 1 + n_steady, body, 0)
        for t in range(_S * (1 + n_steady), _NCHUNK):
            b = t % _S
            wait_load(b)
            fire_scatter(b, t)
            wait_scatter((b + _A) % _S)
        for t in range(_NCHUNK - _S + _A, _NCHUNK):
            wait_scatter(t % _S)
        plsc.subcore_barrier()
        pltpu.sync_copy(acc_sh.at[pl.ds(rbase, _RPT)],
                        out_hbm.at[pl.ds(c * _N + rbase, _RPT)])

    return scatter_kernel(msgs_flat, tgt_4d, zeros)


def _tc_gru(agg, h, W, U, b):
    M = agg.shape[0]
    blk = 4000

    def body(x_ref, h_ref, w_ref, u_ref, b_ref, o_ref):
        x = x_ref[...]
        hv = h_ref[...]
        xw = jnp.dot(x, w_ref[...], preferred_element_type=jnp.float32)
        hu = jnp.dot(hv, u_ref[...], preferred_element_type=jnp.float32)
        xw = xw + b_ref[0:1, :]
        hu = hu + b_ref[1:2, :]
        d = _D
        z = jax.nn.sigmoid(xw[:, :d] + hu[:, :d])
        r = jax.nn.sigmoid(xw[:, d:2 * d] + hu[:, d:2 * d])
        hh = jnp.tanh(xw[:, 2 * d:] + r * hu[:, 2 * d:])
        o_ref[...] = z * hv + (1.0 - z) * hh

    return pl.pallas_call(
        body,
        grid=(M // blk,),
        in_specs=[
            pl.BlockSpec((blk, _D), lambda i: (i, 0)),
            pl.BlockSpec((blk, _D), lambda i: (i, 0)),
            pl.BlockSpec((_D, 3 * _D), lambda i: (0, 0)),
            pl.BlockSpec((_D, 3 * _D), lambda i: (0, 0)),
            pl.BlockSpec((2, 3 * _D), lambda i: (0, 0)),
        ],
        out_specs=pl.BlockSpec((blk, _D), lambda i: (i, 0)),
        out_shape=jax.ShapeDtypeStruct((M, _D), jnp.float32),
    )(agg, h, W, U, b)


def kernel(atom_state, messages, connectivity, W, U, b):
    Bv, Nv, d = atom_state.shape
    tgt = connectivity[:, :, 1].reshape(_B, _TILES, _NCHUNK, _CHUNK)
    msgs = messages.reshape(-1, d)
    zeros = jnp.zeros((_RPT, d), jnp.float32)
    agg = _sc_scatter_sum(msgs, tgt, zeros)
    out = _tc_gru(agg, atom_state.reshape(-1, d), W, U, b)
    return out.reshape(Bv, Nv, d)

# --- scband reference (transcript-rebuilt; emitter-appended) ---
"""Pipeline reference for scband-gruupdate-88579405512822 (READ-ONLY COPY).

The authoritative reference and input builder live on the scoring server;
editing this copy changes nothing except your own understanding.
"""

import jax, jax.numpy as jnp
import numpy as np

ATOM_DIM = 128
B, N, E = 2, 10000, 160000


def _gru_cell(x, h, W, U, b):
    # Keras GRUCell with reset_after=True (v2 default); gate order: z, r, h
    d = h.shape[-1]
    xw = x @ W + b[0]
    hu = h @ U + b[1]
    xz, xr, xh = xw[:, :d], xw[:, d:2 * d], xw[:, 2 * d:]
    rz, rr, rh = hu[:, :d], hu[:, d:2 * d], hu[:, 2 * d:]
    z = jax.nn.sigmoid(xz + rz)
    r = jax.nn.sigmoid(xr + rr)
    hh = jnp.tanh(xh + r * rh)
    return z * h + (1.0 - z) * hh


def setup_inputs(seed: int = 0) -> dict:
    key = jax.random.key(seed)
    k1, k2, k3, k4, k5 = jax.random.split(key, 5)
    atom_state = jax.random.normal(k1, (B, N, ATOM_DIM), dtype=jnp.float32)
    messages = jax.random.normal(k2, (B, E, ATOM_DIM), dtype=jnp.float32)
    connectivity = jax.random.randint(k3, (B, E, 2), 0, N, dtype=jnp.int32)
    W = jax.random.normal(k4, (ATOM_DIM, 3 * ATOM_DIM), dtype=jnp.float32) * 0.05
    U = jax.random.normal(k5, (ATOM_DIM, 3 * ATOM_DIM), dtype=jnp.float32) * 0.05
    b = jnp.zeros((2, 3 * ATOM_DIM), dtype=jnp.float32)
    return {"atom_state": atom_state, "messages": messages,
            "connectivity": connectivity, "W": W, "U": U, "b": b}


def reference(atom_state, messages, connectivity, W, U, b):
    Bv, Nv, d = atom_state.shape
    tgt_idx = connectivity[:, :, 1]
    offset = (jnp.arange(Bv, dtype=tgt_idx.dtype) * Nv)[:, None]
    flat_indices = (tgt_idx + offset).reshape(-1)
    flat_messages = messages.reshape(-1, d)
    aggregated_flat = jax.ops.segment_sum(flat_messages, flat_indices,
                                          num_segments=Bv * Nv)
    flat_states = atom_state.reshape(-1, d)
    new_flat_state = _gru_cell(aggregated_flat, flat_states, W, U, b)
    return new_flat_state.reshape(Bv, Nv, d)

if __name__ == "__main__":
    import jax
    _d = setup_inputs()
    print(jax.jit(kernel)(*tuple(_d.values())))

</pallas_src>

<mosaic_0001>
#map = affine_map<(d0, d1) -> (0, 0)>
#map1 = affine_map<(d0, d1) -> (0, 0, 0, 0)>
module attributes {stable_mosaic.version = 14 : i64} {
  func.func @scatter_kernel(%arg0: i32, %arg1: i32, %arg2: memref<320000x128xf32, #tpu.memory_space<hbm>>, %arg3: memref<2x16x125x80xi32, #tpu.memory_space<hbm>>, %arg4: memref<632x128xf32, #tpu.memory_space<hbm>>, %arg5: memref<20000x128xf32, #tpu.memory_space<hbm>>, %arg6: memref<125x80xi32, #tpu.memory_space<vmem>>, %arg7: memref<3x80x128xf32, #tpu.memory_space<vmem>>, %arg8: memref<10000x128xf32, #tpu.memory_space<vmem_shared>>, %arg9: memref<!tpu.dma_semaphore, #tpu.memory_space<semaphore_mem>>, %arg10: memref<3x!tpu.dma_semaphore, #tpu.memory_space<semaphore_mem>>, %arg11: memref<3x!tpu.dma_semaphore, #tpu.memory_space<semaphore_mem>>) attributes {dimension_semantics = [#tpu.dimension_semantics<core_parallel>, #tpu.dimension_semantics<subcore_parallel>], iteration_bounds = array<i64: 2, 16>, scalar_prefetch = 0 : i64, scratch_operands = 6 : i64, tpu.core_type = #tpu.core_type<sc_vector_subcore>, window_params = [{transform_indices = #map}, {transform_indices = #map1}, {transform_indices = #map}, {transform_indices = #map}]} {
    %mul3A = arith.constant 632 : i32
    %mul3A_0 = arith.muli %arg1, %mul3A : i32
    %min3A = arith.constant 9368 : i32
    %min3A_1 = arith.minsi %mul3A_0, %min3A : i32
    %multiple_of3A = tpu.assume_multiple %min3A_1, 8 : i32
    %dma_start3A = arith.constant 0 : i32
    %dma_start3A_2 = arith.constant 0 : i32
    %dma_start3A_3 = tpu.memref_slice %arg3[%arg0, %arg1, %dma_start3A, %dma_start3A_2] : memref<2x16x125x80xi32, #tpu.memory_space<hbm>> -> memref<1x1x125x80xi32, #tpu.memory_space<hbm>>
    %dma_start3A_4 = tpu.memref_squeeze %dma_start3A_3 : memref<1x1x125x80xi32, #tpu.memory_space<hbm>> -> memref<125x80xi32, #tpu.memory_space<hbm>>
    %dma_start3A_5 = arith.constant 0 : i32
    %dma_start3A_6 = arith.constant 0 : i32
    %dma_start3A_7 = tpu.memref_slice %arg3[%arg0, %arg1, %dma_start3A_5, %dma_start3A_6] : memref<2x16x125x80xi32, #tpu.memory_space<hbm>> -> memref<1x1x125x80xi32, #tpu.memory_space<hbm>>
    %dma_start3A_8 = tpu.memref_squeeze %dma_start3A_7 : memref<1x1x125x80xi32, #tpu.memory_space<hbm>> -> memref<125x80xi32, #tpu.memory_space<hbm>>
    tpu.enqueue_dma source(%dma_start3A_8 : memref<125x80xi32, #tpu.memory_space<hbm>>) target(%arg6 : memref<125x80xi32, #tpu.memory_space<vmem>>) target_semaphore(%arg9 : memref<!tpu.dma_semaphore, #tpu.memory_space<semaphore_mem>>)
    "tpu.region"() ({
      %run_scoped3A = tpu.sem_alloc : memref<!tpu.dma_semaphore, #tpu.memory_space<semaphore_mem>>
      %dma_start3A_364 = arith.constant 0 : i32
      %dma_start3A_365 = tpu.memref_slice %arg8[%multiple_of3A, %dma_start3A_364] : memref<10000x128xf32, #tpu.memory_space<vmem_shared>> -> memref<632x128xf32, #tpu.memory_space<vmem_shared>>
      tpu.enqueue_dma source(%arg4 : memref<632x128xf32, #tpu.memory_space<hbm>>) target(%dma_start3A_365 : memref<632x128xf32, #tpu.memory_space<vmem_shared>>) target_semaphore(%run_scoped3A : memref<!tpu.dma_semaphore, #tpu.memory_space<semaphore_mem>>)
      %dma_wait3A_366 = arith.constant 0 : i32
      %dma_wait3A_367 = tpu.memref_slice %arg8[%multiple_of3A, %dma_wait3A_366] : memref<10000x128xf32, #tpu.memory_space<vmem_shared>> -> memref<632x128xf32, #tpu.memory_space<vmem_shared>>
      tpu.wait_dma2 semaphore(%run_scoped3A : memref<!tpu.dma_semaphore, #tpu.memory_space<semaphore_mem>>) src(%arg4 : memref<632x128xf32, #tpu.memory_space<hbm>>) dst(%dma_wait3A_367 : memref<632x128xf32, #tpu.memory_space<vmem_shared>>)
      tpu.yield
    }) : () -> ()
    %mul3A_9 = arith.constant 160000 : i32
    %mul3A_10 = arith.muli %arg0, %mul3A_9 : i32
    %mul3A_11 = arith.constant 10000 : i32
    %mul3A_12 = arith.muli %arg1, %mul3A_11 : i32
    %add3A = arith.addi %mul3A_10, %mul3A_12 : i32
    %add3A_13 = arith.constant 0 : i32
    %add3A_14 = arith.addi %add3A, %add3A_13 : i32
    %multiple_of3A_15 = tpu.assume_multiple %add3A_14, 8 : i32
    %dma_start3A_16 = arith.constant 0 : i32
    %dma_start3A_17 = arith.constant 0 : i32
    %dma_start3A_18 = arith.constant 0 : i32
    %dma_start3A_19 = arith.constant 0 : i32
    %dma_start3A_20 = tpu.memref_slice %arg7[%dma_start3A_16, %dma_start3A_18, %dma_start3A_19] : memref<3x80x128xf32, #tpu.memory_space<vmem>> -> memref<1x80x128xf32, #tpu.memory_space<vmem>>
    %dma_start3A_21 = tpu.memref_squeeze %dma_start3A_20 : memref<1x80x128xf32, #tpu.memory_space<vmem>> -> memref<80x128xf32, #tpu.memory_space<vmem>>
    %dma_start3A_22 = arith.constant 0 : i32
    %dma_start3A_23 = tpu.memref_slice %arg2[%multiple_of3A_15, %dma_start3A_22] : memref<320000x128xf32, #tpu.memory_space<hbm>> -> memref<80x128xf32, #tpu.memory_space<hbm>>
    %dma_start3A_24 = tpu.memref_slice %arg10[%dma_start3A_17] : memref<3x!tpu.dma_semaphore, #tpu.memory_space<semaphore_mem>> -> memref<1x!tpu.dma_semaphore, #tpu.memory_space<semaphore_mem>>
    %dma_start3A_25 = tpu.memref_squeeze %dma_start3A_24 : memref<1x!tpu.dma_semaphore, #tpu.memory_space<semaphore_mem>> -> memref<!tpu.dma_semaphore, #tpu.memory_space<semaphore_mem>>
    %dma_start3A_26 = arith.constant 0 : i32
    %dma_start3A_27 = arith.constant 0 : i32
    %dma_start3A_28 = tpu.memref_slice %arg7[%dma_start3A_16, %dma_start3A_26, %dma_start3A_27] : memref<3x80x128xf32, #tpu.memory_space<vmem>> -> memref<1x80x128xf32, #tpu.memory_space<vmem>>
    %dma_start3A_29 = tpu.memref_squeeze %dma_start3A_28 : memref<1x80x128xf32, #tpu.memory_space<vmem>> -> memref<80x128xf32, #tpu.memory_space<vmem>>
    %dma_start3A_30 = arith.constant 0 : i32
    %dma_start3A_31 = tpu.memref_slice %arg2[%multiple_of3A_15, %dma_start3A_30] : memref<320000x128xf32, #tpu.memory_space<hbm>> -> memref<80x128xf32, #tpu.memory_space<hbm>>
    tpu.enqueue_dma source(%dma_start3A_31 : memref<80x128xf32, #tpu.memory_space<hbm>>) target(%dma_start3A_29 : memref<80x128xf32, #tpu.memory_space<vmem>>) target_semaphore(%dma_start3A_25 : memref<!tpu.dma_semaphore, #tpu.memory_space<semaphore_mem>>)
    %add3A_32 = arith.constant 80 : i32
    %add3A_33 = arith.addi %add3A, %add3A_32 : i32
    %multiple_of3A_34 = tpu.assume_multiple %add3A_33, 8 : i32
    %dma_start3A_35 = arith.constant 1 : i32
    %dma_start3A_36 = arith.constant 1 : i32
    %dma_start3A_37 = arith.constant 0 : i32
    %dma_start3A_38 = arith.constant 0 : i32
    %dma_start3A_39 = tpu.memref_slice %arg7[%dma_start3A_35, %dma_start3A_37, %dma_start3A_38] : memref<3x80x128xf32, #tpu.memory_space<vmem>> -> memref<1x80x128xf32, #tpu.memory_space<vmem>>
    %dma_start3A_40 = tpu.memref_squeeze %dma_start3A_39 : memref<1x80x128xf32, #tpu.memory_space<vmem>> -> memref<80x128xf32, #tpu.memory_space<vmem>>
    %dma_start3A_41 = arith.constant 0 : i32
    %dma_start3A_42 = tpu.memref_slice %arg2[%multiple_of3A_34, %dma_start3A_41] : memref<320000x128xf32, #tpu.memory_space<hbm>> -> memref<80x128xf32, #tpu.memory_space<hbm>>
    %dma_start3A_43 = tpu.memref_slice %arg10[%dma_start3A_36] : memref<3x!tpu.dma_semaphore, #tpu.memory_space<semaphore_mem>> -> memref<1x!tpu.dma_semaphore, #tpu.memory_space<semaphore_mem>>
    %dma_start3A_44 = tpu.memref_squeeze %dma_start3A_43 : memref<1x!tpu.dma_semaphore, #tpu.memory_space<semaphore_mem>> -> memref<!tpu.dma_semaphore, #tpu.memory_space<semaphore_mem>>
    %dma_start3A_45 = arith.constant 0 : i32
    %dma_start3A_46 = arith.constant 0 : i32
    %dma_start3A_47 = tpu.memref_slice %arg7[%dma_start3A_35, %dma_start3A_45, %dma_start3A_46] : memref<3x80x128xf32, #tpu.memory_space<vmem>> -> memref<1x80x128xf32, #tpu.memory_space<vmem>>
    %dma_start3A_48 = tpu.memref_squeeze %dma_start3A_47 : memref<1x80x128xf32, #tpu.memory_space<vmem>> -> memref<80x128xf32, #tpu.memory_space<vmem>>
    %dma_start3A_49 = arith.constant 0 : i32
    %dma_start3A_50 = tpu.memref_slice %arg2[%multiple_of3A_34, %dma_start3A_49] : memref<320000x128xf32, #tpu.memory_space<hbm>> -> memref<80x128xf32, #tpu.memory_space<hbm>>
    tpu.enqueue_dma source(%dma_start3A_50 : memref<80x128xf32, #tpu.memory_space<hbm>>) target(%dma_start3A_48 : memref<80x128xf32, #tpu.memory_space<vmem>>) target_semaphore(%dma_start3A_44 : memref<!tpu.dma_semaphore, #tpu.memory_space<semaphore_mem>>)
    %dma_wait3A = arith.constant 0 : i32
    %dma_wait3A_51 = arith.constant 0 : i32
    %dma_wait3A_52 = tpu.memref_slice %arg3[%arg0, %arg1, %dma_wait3A, %dma_wait3A_51] : memref<2x16x125x80xi32, #tpu.memory_space<hbm>> -> memref<1x1x125x80xi32, #tpu.memory_space<hbm>>
    %dma_wait3A_53 = tpu.memref_squeeze %dma_wait3A_52 : memref<1x1x125x80xi32, #tpu.memory_space<hbm>> -> memref<125x80xi32, #tpu.memory_space<hbm>>
    %dma_wait3A_54 = arith.constant 0 : i32
    %dma_wait3A_55 = arith.constant 0 : i32
    %dma_wait3A_56 = tpu.memref_slice %arg3[%arg0, %arg1, %dma_wait3A_54, %dma_wait3A_55] : memref<2x16x125x80xi32, #tpu.memory_space<hbm>> -> memref<1x1x125x80xi32, #tpu.memory_space<hbm>>
    %dma_wait3A_57 = tpu.memref_squeeze %dma_wait3A_56 : memref<1x1x125x80xi32, #tpu.memory_space<hbm>> -> memref<125x80xi32, #tpu.memory_space<hbm>>
    tpu.wait_dma2 semaphore(%arg9 : memref<!tpu.dma_semaphore, #tpu.memory_space<semaphore_mem>>) src(%dma_wait3A_57 : memref<125x80xi32, #tpu.memory_space<hbm>>) dst(%arg6 : memref<125x80xi32, #tpu.memory_space<vmem>>)
    %barrier3A = arith.constant 0 : index
    tpu.barrier barrier_id(%barrier3A)
    %dma_wait3A_58 = arith.constant 0 : i32
    %dma_wait3A_59 = arith.constant 0 : i32
    %dma_wait3A_60 = arith.constant 0 : i32
    %dma_wait3A_61 = arith.constant 0 : i32
    %dma_wait3A_62 = tpu.memref_slice %arg7[%dma_wait3A_58, %dma_wait3A_60, %dma_wait3A_61] : memref<3x80x128xf32, #tpu.memory_space<vmem>> -> memref<1x80x128xf32, #tpu.memory_space<vmem>>
    %dma_wait3A_63 = tpu.memref_squeeze %dma_wait3A_62 : memref<1x80x128xf32, #tpu.memory_space<vmem>> -> memref<80x128xf32, #tpu.memory_space<vmem>>
    %dma_wait3A_64 = arith.constant 0 : i32
    %dma_wait3A_65 = arith.constant 0 : i32
    %dma_wait3A_66 = tpu.memref_slice %arg2[%dma_wait3A_64, %dma_wait3A_65] : memref<320000x128xf32, #tpu.memory_space<hbm>> -> memref<80x128xf32, #tpu.memory_space<hbm>>
    %dma_wait3A_67 = tpu.memref_slice %arg10[%dma_wait3A_59] : memref<3x!tpu.dma_semaphore, #tpu.memory_space<semaphore_mem>> -> memref<1x!tpu.dma_semaphore, #tpu.memory_space<semaphore_mem>>
    %dma_wait3A_68 = tpu.memref_squeeze %dma_wait3A_67 : memref<1x!tpu.dma_semaphore, #tpu.memory_space<semaphore_mem>> -> memref<!tpu.dma_semaphore, #tpu.memory_space<semaphore_mem>>
    %dma_wait3A_69 = arith.constant 0 : i32
    %dma_wait3A_70 = arith.constant 0 : i32
    %dma_wait3A_71 = tpu.memref_slice %arg7[%dma_wait3A_58, %dma_wait3A_69, %dma_wait3A_70] : memref<3x80x128xf32, #tpu.memory_space<vmem>> -> memref<1x80x128xf32, #tpu.memory_space<vmem>>
    %dma_wait3A_72 = tpu.memref_squeeze %dma_wait3A_71 : memref<1x80x128xf32, #tpu.memory_space<vmem>> -> memref<80x128xf32, #tpu.memory_space<vmem>>
    %dma_wait3A_73 = arith.constant 0 : i32
    %dma_wait3A_74 = arith.constant 0 : i32
    %dma_wait3A_75 = tpu.memref_slice %arg2[%dma_wait3A_73, %dma_wait3A_74] : memref<320000x128xf32, #tpu.memory_space<hbm>> -> memref<80x128xf32, #tpu.memory_space<hbm>>
    tpu.wait_dma2 semaphore(%dma_wait3A_68 : memref<!tpu.dma_semaphore, #tpu.memory_space<semaphore_mem>>) src(%dma_wait3A_75 : memref<80x128xf32, #tpu.memory_space<hbm>>) dst(%dma_wait3A_72 : memref<80x128xf32, #tpu.memory_space<vmem>>)
    %dma_start3A_76 = arith.constant 0 : i32
    %dma_start3A_77 = arith.constant 0 : i32
    %dma_start3A_78 = arith.constant 0 : i32
    %dma_start3A_79 = arith.constant 0 : i32
    %dma_start3A_80 = arith.constant 0 : i32
    %dma_start3A_81 = tpu.memref_slice %arg7[%dma_start3A_76, %dma_start3A_79, %dma_start3A_80] : memref<3x80x128xf32, #tpu.memory_space<vmem>> -> memref<1x80x128xf32, #tpu.memory_space<vmem>>
    %dma_start3A_82 = tpu.memref_squeeze %dma_start3A_81 : memref<1x80x128xf32, #tpu.memory_space<vmem>> -> memref<80x128xf32, #tpu.memory_space<vmem>>
    %dma_start3A_83 = arith.constant 0 : i32
    %dma_start3A_84 = tpu.memref_slice %arg6[%dma_start3A_77, %dma_start3A_83] : memref<125x80xi32, #tpu.memory_space<vmem>> -> memref<1x80xi32, #tpu.memory_space<vmem>>
    %dma_start3A_85 = tpu.memref_squeeze %dma_start3A_84 : memref<1x80xi32, #tpu.memory_space<vmem>> -> memref<80xi32, #tpu.memory_space<vmem>>
    %dma_start3A_86 = arith.constant 0 : i32
    %dma_start3A_87 = arith.constant 0 : i32
    %dma_start3A_88 = tpu.memref_slice %arg8[%dma_start3A_86, %dma_start3A_87] : memref<10000x128xf32, #tpu.memory_space<vmem_shared>> -> memref<10000x128xf32, #tpu.memory_space<vmem_shared>>
    %dma_start3A_89 = tpu.memref_slice %arg11[%dma_start3A_78] : memref<3x!tpu.dma_semaphore, #tpu.memory_space<semaphore_mem>> -> memref<1x!tpu.dma_semaphore, #tpu.memory_space<semaphore_mem>>
    %dma_start3A_90 = tpu.memref_squeeze %dma_start3A_89 : memref<1x!tpu.dma_semaphore, #tpu.memory_space<semaphore_mem>> -> memref<!tpu.dma_semaphore, #tpu.memory_space<semaphore_mem>>
    tpu.enqueue_indirect_dma source(%dma_start3A_82 : memref<80x128xf32, #tpu.memory_space<vmem>>) target(%dma_start3A_88 : memref<10000x128xf32, #tpu.memory_space<vmem_shared>>) offsets(%dma_start3A_85 : memref<80xi32, #tpu.memory_space<vmem>>) semaphore(%dma_start3A_90 : memref<!tpu.dma_semaphore, #tpu.memory_space<semaphore_mem>>) {add = true}
    %add3A_91 = arith.constant 160 : i32
    %add3A_92 = arith.addi %add3A, %add3A_91 : i32
    %multiple_of3A_93 = tpu.assume_multiple %add3A_92, 8 : i32
    %dma_start3A_94 = arith.constant 2 : i32
    %dma_start3A_95 = arith.constant 2 : i32
    %dma_start3A_96 = arith.constant 0 : i32
    %dma_start3A_97 = arith.constant 0 : i32
    %dma_start3A_98 = tpu.memref_slice %arg7[%dma_start3A_94, %dma_start3A_96, %dma_start3A_97] : memref<3x80x128xf32, #tpu.memory_space<vmem>> -> memref<1x80x128xf32, #tpu.memory_space<vmem>>
    %dma_start3A_99 = tpu.memref_squeeze %dma_start3A_98 : memref<1x80x128xf32, #tpu.memory_space<vmem>> -> memref<80x128xf32, #tpu.memory_space<vmem>>
    %dma_start3A_100 = arith.constant 0 : i32
    %dma_start3A_101 = tpu.memref_slice %arg2[%multiple_of3A_93, %dma_start3A_100] : memref<320000x128xf32, #tpu.memory_space<hbm>> -> memref<80x128xf32, #tpu.memory_space<hbm>>
    %dma_start3A_102 = tpu.memref_slice %arg10[%dma_start3A_95] : memref<3x!tpu.dma_semaphore, #tpu.memory_space<semaphore_mem>> -> memref<1x!tpu.dma_semaphore, #tpu.memory_space<semaphore_mem>>
    %dma_start3A_103 = tpu.memref_squeeze %dma_start3A_102 : memref<1x!tpu.dma_semaphore, #tpu.memory_space<semaphore_mem>> -> memref<!tpu.dma_semaphore, #tpu.memory_space<semaphore_mem>>
    %dma_start3A_104 = arith.constant 0 : i32
    %dma_start3A_105 = arith.constant 0 : i32
    %dma_start3A_106 = tpu.memref_slice %arg7[%dma_start3A_94, %dma_start3A_104, %dma_start3A_105] : memref<3x80x128xf32, #tpu.memory_space<vmem>> -> memref<1x80x128xf32, #tpu.memory_space<vmem>>
    %dma_start3A_107 = tpu.memref_squeeze %dma_start3A_106 : memref<1x80x128xf32, #tpu.memory_space<vmem>> -> memref<80x128xf32, #tpu.memory_space<vmem>>
    %dma_start3A_108 = arith.constant 0 : i32
    %dma_start3A_109 = tpu.memref_slice %arg2[%multiple_of3A_93, %dma_start3A_108] : memref<320000x128xf32, #tpu.memory_space<hbm>> -> memref<80x128xf32, #tpu.memory_space<hbm>>
    tpu.enqueue_dma source(%dma_start3A_109 : memref<80x128xf32, #tpu.memory_space<hbm>>) target(%dma_start3A_107 : memref<80x128xf32, #tpu.memory_space<vmem>>) target_semaphore(%dma_start3A_103 : memref<!tpu.dma_semaphore, #tpu.memory_space<semaphore_mem>>)
    %dma_wait3A_110 = arith.constant 1 : i32
    %dma_wait3A_111 = arith.constant 1 : i32
    %dma_wait3A_112 = arith.constant 0 : i32
    %dma_wait3A_113 = arith.constant 0 : i32
    %dma_wait3A_114 = tpu.memref_slice %arg7[%dma_wait3A_110, %dma_wait3A_112, %dma_wait3A_113] : memref<3x80x128xf32, #tpu.memory_space<vmem>> -> memref<1x80x128xf32, #tpu.memory_space<vmem>>
    %dma_wait3A_115 = tpu.memref_squeeze %dma_wait3A_114 : memref<1x80x128xf32, #tpu.memory_space<vmem>> -> memref<80x128xf32, #tpu.memory_space<vmem>>
    %dma_wait3A_116 = arith.constant 0 : i32
    %dma_wait3A_117 = arith.constant 0 : i32
    %dma_wait3A_118 = tpu.memref_slice %arg2[%dma_wait3A_116, %dma_wait3A_117] : memref<320000x128xf32, #tpu.memory_space<hbm>> -> memref<80x128xf32, #tpu.memory_space<hbm>>
    %dma_wait3A_119 = tpu.memref_slice %arg10[%dma_wait3A_111] : memref<3x!tpu.dma_semaphore, #tpu.memory_space<semaphore_mem>> -> memref<1x!tpu.dma_semaphore, #tpu.memory_space<semaphore_mem>>
    %dma_wait3A_120 = tpu.memref_squeeze %dma_wait3A_119 : memref<1x!tpu.dma_semaphore, #tpu.memory_space<semaphore_mem>> -> memref<!tpu.dma_semaphore, #tpu.memory_space<semaphore_mem>>
    %dma_wait3A_121 = arith.constant 0 : i32
    %dma_wait3A_122 = arith.constant 0 : i32
    %dma_wait3A_123 = tpu.memref_slice %arg7[%dma_wait3A_110, %dma_wait3A_121, %dma_wait3A_122] : memref<3x80x128xf32, #tpu.memory_space<vmem>> -> memref<1x80x128xf32, #tpu.memory_space<vmem>>
    %dma_wait3A_124 = tpu.memref_squeeze %dma_wait3A_123 : memref<1x80x128xf32, #tpu.memory_space<vmem>> -> memref<80x128xf32, #tpu.memory_space<vmem>>
    %dma_wait3A_125 = arith.constant 0 : i32
    %dma_wait3A_126 = arith.constant 0 : i32
    %dma_wait3A_127 = tpu.memref_slice %arg2[%dma_wait3A_125, %dma_wait3A_126] : memref<320000x128xf32, #tpu.memory_space<hbm>> -> memref<80x128xf32, #tpu.memory_space<hbm>>
    tpu.wait_dma2 semaphore(%dma_wait3A_120 : memref<!tpu.dma_semaphore, #tpu.memory_space<semaphore_mem>>) src(%dma_wait3A_127 : memref<80x128xf32, #tpu.memory_space<hbm>>) dst(%dma_wait3A_124 : memref<80x128xf32, #tpu.memory_space<vmem>>)
    %dma_start3A_128 = arith.constant 1 : i32
    %dma_start3A_129 = arith.constant 1 : i32
    %dma_start3A_130 = arith.constant 1 : i32
    %dma_start3A_131 = arith.constant 0 : i32
    %dma_start3A_132 = arith.constant 0 : i32
    %dma_start3A_133 = tpu.memref_slice %arg7[%dma_start3A_128, %dma_start3A_131, %dma_start3A_132] : memref<3x80x128xf32, #tpu.memory_space<vmem>> -> memref<1x80x128xf32, #tpu.memory_space<vmem>>
    %dma_start3A_134 = tpu.memref_squeeze %dma_start3A_133 : memref<1x80x128xf32, #tpu.memory_space<vmem>> -> memref<80x128xf32, #tpu.memory_space<vmem>>
    %dma_start3A_135 = arith.constant 0 : i32
    %dma_start3A_136 = tpu.memref_slice %arg6[%dma_start3A_129, %dma_start3A_135] : memref<125x80xi32, #tpu.memory_space<vmem>> -> memref<1x80xi32, #tpu.memory_space<vmem>>
    %dma_start3A_137 = tpu.memref_squeeze %dma_start3A_136 : memref<1x80xi32, #tpu.memory_space<vmem>> -> memref<80xi32, #tpu.memory_space<vmem>>
    %dma_start3A_138 = arith.constant 0 : i32
    %dma_start3A_139 = arith.constant 0 : i32
    %dma_start3A_140 = tpu.memref_slice %arg8[%dma_start3A_138, %dma_start3A_139] : memref<10000x128xf32, #tpu.memory_space<vmem_shared>> -> memref<10000x128xf32, #tpu.memory_space<vmem_shared>>
    %dma_start3A_141 = tpu.memref_slice %arg11[%dma_start3A_130] : memref<3x!tpu.dma_semaphore, #tpu.memory_space<semaphore_mem>> -> memref<1x!tpu.dma_semaphore, #tpu.memory_space<semaphore_mem>>
    %dma_start3A_142 = tpu.memref_squeeze %dma_start3A_141 : memref<1x!tpu.dma_semaphore, #tpu.memory_space<semaphore_mem>> -> memref<!tpu.dma_semaphore, #tpu.memory_space<semaphore_mem>>
    tpu.enqueue_indirect_dma source(%dma_start3A_134 : memref<80x128xf32, #tpu.memory_space<vmem>>) target(%dma_start3A_140 : memref<10000x128xf32, #tpu.memory_space<vmem_shared>>) offsets(%dma_start3A_137 : memref<80xi32, #tpu.memory_space<vmem>>) semaphore(%dma_start3A_142 : memref<!tpu.dma_semaphore, #tpu.memory_space<semaphore_mem>>) {add = true}
    %dma_wait3A_143 = arith.constant 0 : i32
    %dma_wait3A_144 = arith.constant 0 : i32
    %dma_wait3A_145 = arith.constant 0 : i32
    %dma_wait3A_146 = arith.constant 0 : i32
    %dma_wait3A_147 = arith.constant 0 : i32
    %dma_wait3A_148 = tpu.memref_slice %arg7[%dma_wait3A_143, %dma_wait3A_146, %dma_wait3A_147] : memref<3x80x128xf32, #tpu.memory_space<vmem>> -> memref<1x80x128xf32, #tpu.memory_space<vmem>>
    %dma_wait3A_149 = tpu.memref_squeeze %dma_wait3A_148 : memref<1x80x128xf32, #tpu.memory_space<vmem>> -> memref<80x128xf32, #tpu.memory_space<vmem>>
    %dma_wait3A_150 = arith.constant 0 : i32
    %dma_wait3A_151 = tpu.memref_slice %arg6[%dma_wait3A_144, %dma_wait3A_150] : memref<125x80xi32, #tpu.memory_space<vmem>> -> memref<1x80xi32, #tpu.memory_space<vmem>>
    %dma_wait3A_152 = tpu.memref_squeeze %dma_wait3A_151 : memref<1x80xi32, #tpu.memory_space<vmem>> -> memref<80xi32, #tpu.memory_space<vmem>>
    %dma_wait3A_153 = arith.constant 0 : i32
    %dma_wait3A_154 = arith.constant 0 : i32
    %dma_wait3A_155 = tpu.memref_slice %arg8[%dma_wait3A_153, %dma_wait3A_154] : memref<10000x128xf32, #tpu.memory_space<vmem_shared>> -> memref<10000x128xf32, #tpu.memory_space<vmem_shared>>
    %dma_wait3A_156 = tpu.memref_slice %arg11[%dma_wait3A_145] : memref<3x!tpu.dma_semaphore, #tpu.memory_space<semaphore_mem>> -> memref<1x!tpu.dma_semaphore, #tpu.memory_space<semaphore_mem>>
    %dma_wait3A_157 = tpu.memref_squeeze %dma_wait3A_156 : memref<1x!tpu.dma_semaphore, #tpu.memory_space<semaphore_mem>> -> memref<!tpu.dma_semaphore, #tpu.memory_space<semaphore_mem>>
    tpu.wait_indirect_dma semaphore(%dma_wait3A_157 : memref<!tpu.dma_semaphore, #tpu.memory_space<semaphore_mem>>) src(%dma_wait3A_149 : memref<80x128xf32, #tpu.memory_space<vmem>>) dst(%dma_wait3A_155 : memref<10000x128xf32, #tpu.memory_space<vmem_shared>>)
    %add3A_158 = arith.constant 240 : i32
    %add3A_159 = arith.addi %add3A, %add3A_158 : i32
    %multiple_of3A_160 = tpu.assume_multiple %add3A_159, 8 : i32
    %dma_start3A_161 = arith.constant 0 : i32
    %dma_start3A_162 = arith.constant 0 : i32
    %dma_start3A_163 = arith.constant 0 : i32
    %dma_start3A_164 = arith.constant 0 : i32
    %dma_start3A_165 = tpu.memref_slice %arg7[%dma_start3A_161, %dma_start3A_163, %dma_start3A_164] : memref<3x80x128xf32, #tpu.memory_space<vmem>> -> memref<1x80x128xf32, #tpu.memory_space<vmem>>
    %dma_start3A_166 = tpu.memref_squeeze %dma_start3A_165 : memref<1x80x128xf32, #tpu.memory_space<vmem>> -> memref<80x128xf32, #tpu.memory_space<vmem>>
    %dma_start3A_167 = arith.constant 0 : i32
    %dma_start3A_168 = tpu.memref_slice %arg2[%multiple_of3A_160, %dma_start3A_167] : memref<320000x128xf32, #tpu.memory_space<hbm>> -> memref<80x128xf32, #tpu.memory_space<hbm>>
    %dma_start3A_169 = tpu.memref_slice %arg10[%dma_start3A_162] : memref<3x!tpu.dma_semaphore, #tpu.memory_space<semaphore_mem>> -> memref<1x!tpu.dma_semaphore, #tpu.memory_space<semaphore_mem>>
    %dma_start3A_170 = tpu.memref_squeeze %dma_start3A_169 : memref<1x!tpu.dma_semaphore, #tpu.memory_space<semaphore_mem>> -> memref<!tpu.dma_semaphore, #tpu.memory_space<semaphore_mem>>
    %dma_start3A_171 = arith.constant 0 : i32
    %dma_start3A_172 = arith.constant 0 : i32
    %dma_start3A_173 = tpu.memref_slice %arg7[%dma_start3A_161, %dma_start3A_171, %dma_start3A_172] : memref<3x80x128xf32, #tpu.memory_space<vmem>> -> memref<1x80x128xf32, #tpu.memory_space<vmem>>
    %dma_start3A_174 = tpu.memref_squeeze %dma_start3A_173 : memref<1x80x128xf32, #tpu.memory_space<vmem>> -> memref<80x128xf32, #tpu.memory_space<vmem>>
    %dma_start3A_175 = arith.constant 0 : i32
    %dma_start3A_176 = tpu.memref_slice %arg2[%multiple_of3A_160, %dma_start3A_175] : memref<320000x128xf32, #tpu.memory_space<hbm>> -> memref<80x128xf32, #tpu.memory_space<hbm>>
    tpu.enqueue_dma source(%dma_start3A_176 : memref<80x128xf32, #tpu.memory_space<hbm>>) target(%dma_start3A_174 : memref<80x128xf32, #tpu.memory_space<vmem>>) target_semaphore(%dma_start3A_170 : memref<!tpu.dma_semaphore, #tpu.memory_space<semaphore_mem>>)
    %dma_wait3A_177 = arith.constant 2 : i32
    %dma_wait3A_178 = arith.constant 2 : i32
    %dma_wait3A_179 = arith.constant 0 : i32
    %dma_wait3A_180 = arith.constant 0 : i32
    %dma_wait3A_181 = tpu.memref_slice %arg7[%dma_wait3A_177, %dma_wait3A_179, %dma_wait3A_180] : memref<3x80x128xf32, #tpu.memory_space<vmem>> -> memref<1x80x128xf32, #tpu.memory_space<vmem>>
    %dma_wait3A_182 = tpu.memref_squeeze %dma_wait3A_181 : memref<1x80x128xf32, #tpu.memory_space<vmem>> -> memref<80x128xf32, #tpu.memory_space<vmem>>
    %dma_wait3A_183 = arith.constant 0 : i32
    %dma_wait3A_184 = arith.constant 0 : i32
    %dma_wait3A_185 = tpu.memref_slice %arg2[%dma_wait3A_183, %dma_wait3A_184] : memref<320000x128xf32, #tpu.memory_space<hbm>> -> memref<80x128xf32, #tpu.memory_space<hbm>>
    %dma_wait3A_186 = tpu.memref_slice %arg10[%dma_wait3A_178] : memref<3x!tpu.dma_semaphore, #tpu.memory_space<semaphore_mem>> -> memref<1x!tpu.dma_semaphore, #tpu.memory_space<semaphore_mem>>
    %dma_wait3A_187 = tpu.memref_squeeze %dma_wait3A_186 : memref<1x!tpu.dma_semaphore, #tpu.memory_space<semaphore_mem>> -> memref<!tpu.dma_semaphore, #tpu.memory_space<semaphore_mem>>
    %dma_wait3A_188 = arith.constant 0 : i32
    %dma_wait3A_189 = arith.constant 0 : i32
    %dma_wait3A_190 = tpu.memref_slice %arg7[%dma_wait3A_177, %dma_wait3A_188, %dma_wait3A_189] : memref<3x80x128xf32, #tpu.memory_space<vmem>> -> memref<1x80x128xf32, #tpu.memory_space<vmem>>
    %dma_wait3A_191 = tpu.memref_squeeze %dma_wait3A_190 : memref<1x80x128xf32, #tpu.memory_space<vmem>> -> memref<80x128xf32, #tpu.memory_space<vmem>>
    %dma_wait3A_192 = arith.constant 0 : i32
    %dma_wait3A_193 = arith.constant 0 : i32
    %dma_wait3A_194 = tpu.memref_slice %arg2[%dma_wait3A_192, %dma_wait3A_193] : memref<320000x128xf32, #tpu.memory_space<hbm>> -> memref<80x128xf32, #tpu.memory_space<hbm>>
    tpu.wait_dma2 semaphore(%dma_wait3A_187 : memref<!tpu.dma_semaphore, #tpu.memory_space<semaphore_mem>>) src(%dma_wait3A_194 : memref<80x128xf32, #tpu.memory_space<hbm>>) dst(%dma_wait3A_191 : memref<80x128xf32, #tpu.memory_space<vmem>>)
    %dma_start3A_195 = arith.constant 2 : i32
    %dma_start3A_196 = arith.constant 2 : i32
    %dma_start3A_197 = arith.constant 2 : i32
    %dma_start3A_198 = arith.constant 0 : i32
    %dma_start3A_199 = arith.constant 0 : i32
    %dma_start3A_200 = tpu.memref_slice %arg7[%dma_start3A_195, %dma_start3A_198, %dma_start3A_199] : memref<3x80x128xf32, #tpu.memory_space<vmem>> -> memref<1x80x128xf32, #tpu.memory_space<vmem>>
    %dma_start3A_201 = tpu.memref_squeeze %dma_start3A_200 : memref<1x80x128xf32, #tpu.memory_space<vmem>> -> memref<80x128xf32, #tpu.memory_space<vmem>>
    %dma_start3A_202 = arith.constant 0 : i32
    %dma_start3A_203 = tpu.memref_slice %arg6[%dma_start3A_196, %dma_start3A_202] : memref<125x80xi32, #tpu.memory_space<vmem>> -> memref<1x80xi32, #tpu.memory_space<vmem>>
    %dma_start3A_204 = tpu.memref_squeeze %dma_start3A_203 : memref<1x80xi32, #tpu.memory_space<vmem>> -> memref<80xi32, #tpu.memory_space<vmem>>
    %dma_start3A_205 = arith.constant 0 : i32
    %dma_start3A_206 = arith.constant 0 : i32
    %dma_start3A_207 = tpu.memref_slice %arg8[%dma_start3A_205, %dma_start3A_206] : memref<10000x128xf32, #tpu.memory_space<vmem_shared>> -> memref<10000x128xf32, #tpu.memory_space<vmem_shared>>
    %dma_start3A_208 = tpu.memref_slice %arg11[%dma_start3A_197] : memref<3x!tpu.dma_semaphore, #tpu.memory_space<semaphore_mem>> -> memref<1x!tpu.dma_semaphore, #tpu.memory_space<semaphore_mem>>
    %dma_start3A_209 = tpu.memref_squeeze %dma_start3A_208 : memref<1x!tpu.dma_semaphore, #tpu.memory_space<semaphore_mem>> -> memref<!tpu.dma_semaphore, #tpu.memory_space<semaphore_mem>>
    tpu.enqueue_indirect_dma source(%dma_start3A_201 : memref<80x128xf32, #tpu.memory_space<vmem>>) target(%dma_start3A_207 : memref<10000x128xf32, #tpu.memory_space<vmem_shared>>) offsets(%dma_start3A_204 : memref<80xi32, #tpu.memory_space<vmem>>) semaphore(%dma_start3A_209 : memref<!tpu.dma_semaphore, #tpu.memory_space<semaphore_mem>>) {add = true}
    %dma_wait3A_210 = arith.constant 1 : i32
    %dma_wait3A_211 = arith.constant 0 : i32
    %dma_wait3A_212 = arith.constant 1 : i32
    %dma_wait3A_213 = arith.constant 0 : i32
    %dma_wait3A_214 = arith.constant 0 : i32
    %dma_wait3A_215 = tpu.memref_slice %arg7[%dma_wait3A_210, %dma_wait3A_213, %dma_wait3A_214] : memref<3x80x128xf32, #tpu.memory_space<vmem>> -> memref<1x80x128xf32, #tpu.memory_space<vmem>>
    %dma_wait3A_216 = tpu.memref_squeeze %dma_wait3A_215 : memref<1x80x128xf32, #tpu.memory_space<vmem>> -> memref<80x128xf32, #tpu.memory_space<vmem>>
    %dma_wait3A_217 = arith.constant 0 : i32
    %dma_wait3A_218 = tpu.memref_slice %arg6[%dma_wait3A_211, %dma_wait3A_217] : memref<125x80xi32, #tpu.memory_space<vmem>> -> memref<1x80xi32, #tpu.memory_space<vmem>>
    %dma_wait3A_219 = tpu.memref_squeeze %dma_wait3A_218 : memref<1x80xi32, #tpu.memory_space<vmem>> -> memref<80xi32, #tpu.memory_space<vmem>>
    %dma_wait3A_220 = arith.constant 0 : i32
    %dma_wait3A_221 = arith.constant 0 : i32
    %dma_wait3A_222 = tpu.memref_slice %arg8[%dma_wait3A_220, %dma_wait3A_221] : memref<10000x128xf32, #tpu.memory_space<vmem_shared>> -> memref<10000x128xf32, #tpu.memory_space<vmem_shared>>
    %dma_wait3A_223 = tpu.memref_slice %arg11[%dma_wait3A_212] : memref<3x!tpu.dma_semaphore, #tpu.memory_space<semaphore_mem>> -> memref<1x!tpu.dma_semaphore, #tpu.memory_space<semaphore_mem>>
    %dma_wait3A_224 = tpu.memref_squeeze %dma_wait3A_223 : memref<1x!tpu.dma_semaphore, #tpu.memory_space<semaphore_mem>> -> memref<!tpu.dma_semaphore, #tpu.memory_space<semaphore_mem>>
    tpu.wait_indirect_dma semaphore(%dma_wait3A_224 : memref<!tpu.dma_semaphore, #tpu.memory_space<semaphore_mem>>) src(%dma_wait3A_216 : memref<80x128xf32, #tpu.memory_space<vmem>>) dst(%dma_wait3A_222 : memref<10000x128xf32, #tpu.memory_space<vmem_shared>>)
    %add3A_225 = arith.constant 320 : i32
    %add3A_226 = arith.addi %add3A, %add3A_225 : i32
    %multiple_of3A_227 = tpu.assume_multiple %add3A_226, 8 : i32
    %dma_start3A_228 = arith.constant 1 : i32
    %dma_start3A_229 = arith.constant 1 : i32
    %dma_start3A_230 = arith.constant 0 : i32
    %dma_start3A_231 = arith.constant 0 : i32
    %dma_start3A_232 = tpu.memref_slice %arg7[%dma_start3A_228, %dma_start3A_230, %dma_start3A_231] : memref<3x80x128xf32, #tpu.memory_space<vmem>> -> memref<1x80x128xf32, #tpu.memory_space<vmem>>
    %dma_start3A_233 = tpu.memref_squeeze %dma_start3A_232 : memref<1x80x128xf32, #tpu.memory_space<vmem>> -> memref<80x128xf32, #tpu.memory_space<vmem>>
    %dma_start3A_234 = arith.constant 0 : i32
    %dma_start3A_235 = tpu.memref_slice %arg2[%multiple_of3A_227, %dma_start3A_234] : memref<320000x128xf32, #tpu.memory_space<hbm>> -> memref<80x128xf32, #tpu.memory_space<hbm>>
    %dma_start3A_236 = tpu.memref_slice %arg10[%dma_start3A_229] : memref<3x!tpu.dma_semaphore, #tpu.memory_space<semaphore_mem>> -> memref<1x!tpu.dma_semaphore, #tpu.memory_space<semaphore_mem>>
    %dma_start3A_237 = tpu.memref_squeeze %dma_start3A_236 : memref<1x!tpu.dma_semaphore, #tpu.memory_space<semaphore_mem>> -> memref<!tpu.dma_semaphore, #tpu.memory_space<semaphore_mem>>
    %dma_start3A_238 = arith.constant 0 : i32
    %dma_start3A_239 = arith.constant 0 : i32
    %dma_start3A_240 = tpu.memref_slice %arg7[%dma_start3A_228, %dma_start3A_238, %dma_start3A_239] : memref<3x80x128xf32, #tpu.memory_space<vmem>> -> memref<1x80x128xf32, #tpu.memory_space<vmem>>
    %dma_start3A_241 = tpu.memref_squeeze %dma_start3A_240 : memref<1x80x128xf32, #tpu.memory_space<vmem>> -> memref<80x128xf32, #tpu.memory_space<vmem>>
    %dma_start3A_242 = arith.constant 0 : i32
    %dma_start3A_243 = tpu.memref_slice %arg2[%multiple_of3A_227, %dma_start3A_242] : memref<320000x128xf32, #tpu.memory_space<hbm>> -> memref<80x128xf32, #tpu.memory_space<hbm>>
    tpu.enqueue_dma source(%dma_start3A_243 : memref<80x128xf32, #tpu.memory_space<hbm>>) target(%dma_start3A_241 : memref<80x128xf32, #tpu.memory_space<vmem>>) target_semaphore(%dma_start3A_237 : memref<!tpu.dma_semaphore, #tpu.memory_space<semaphore_mem>>)
    %scan3A = arith.constant 0 : i32
    %scan3A_244 = arith.constant 1 : i32
    %scan3A_245 = arith.constant 40 : i32
    %scan3A_246 = arith.addi %scan3A_244, %scan3A_245 : i32
    %scan3A_247 = arith.constant 1 : i32
    scf.for %scan3A_364 = %scan3A_244 to %scan3A_246 step %scan3A_247  : i32 {
      %mul3A_365 = arith.constant 3 : i32
      %mul3A_366 = arith.muli %scan3A_364, %mul3A_365 : i32
      %add3A_367 = arith.constant 0 : i32
      %add3A_368 = arith.addi %mul3A_366, %add3A_367 : i32
      %dma_wait3A_369 = arith.constant 0 : i32
      %dma_wait3A_370 = arith.constant 0 : i32
      %dma_wait3A_371 = arith.constant 0 : i32
      %dma_wait3A_372 = arith.constant 0 : i32
      %dma_wait3A_373 = tpu.memref_slice %arg7[%dma_wait3A_369, %dma_wait3A_371, %dma_wait3A_372] : memref<3x80x128xf32, #tpu.memory_space<vmem>> -> memref<1x80x128xf32, #tpu.memory_space<vmem>>
      %dma_wait3A_374 = tpu.memref_squeeze %dma_wait3A_373 : memref<1x80x128xf32, #tpu.memory_space<vmem>> -> memref<80x128xf32, #tpu.memory_space<vmem>>
      %dma_wait3A_375 = arith.constant 0 : i32
      %dma_wait3A_376 = arith.constant 0 : i32
      %dma_wait3A_377 = tpu.memref_slice %arg2[%dma_wait3A_375, %dma_wait3A_376] : memref<320000x128xf32, #tpu.memory_space<hbm>> -> memref<80x128xf32, #tpu.memory_space<hbm>>
      %dma_wait3A_378 = tpu.memref_slice %arg10[%dma_wait3A_370] : memref<3x!tpu.dma_semaphore, #tpu.memory_space<semaphore_mem>> -> memref<1x!tpu.dma_semaphore, #tpu.memory_space<semaphore_mem>>
      %dma_wait3A_379 = tpu.memref_squeeze %dma_wait3A_378 : memref<1x!tpu.dma_semaphore, #tpu.memory_space<semaphore_mem>> -> memref<!tpu.dma_semaphore, #tpu.memory_space<semaphore_mem>>
      %dma_wait3A_380 = arith.constant 0 : i32
      %dma_wait3A_381 = arith.constant 0 : i32
      %dma_wait3A_382 = tpu.memref_slice %arg7[%dma_wait3A_369, %dma_wait3A_380, %dma_wait3A_381] : memref<3x80x128xf32, #tpu.memory_space<vmem>> -> memref<1x80x128xf32, #tpu.memory_space<vmem>>
      %dma_wait3A_383 = tpu.memref_squeeze %dma_wait3A_382 : memref<1x80x128xf32, #tpu.memory_space<vmem>> -> memref<80x128xf32, #tpu.memory_space<vmem>>
      %dma_wait3A_384 = arith.constant 0 : i32
      %dma_wait3A_385 = arith.constant 0 : i32
      %dma_wait3A_386 = tpu.memref_slice %arg2[%dma_wait3A_384, %dma_wait3A_385] : memref<320000x128xf32, #tpu.memory_space<hbm>> -> memref<80x128xf32, #tpu.memory_space<hbm>>
      tpu.wait_dma2 semaphore(%dma_wait3A_379 : memref<!tpu.dma_semaphore, #tpu.memory_space<semaphore_mem>>) src(%dma_wait3A_386 : memref<80x128xf32, #tpu.memory_space<hbm>>) dst(%dma_wait3A_383 : memref<80x128xf32, #tpu.memory_space<vmem>>)
      %dma_start3A_387 = arith.constant 0 : i32
      %dma_start3A_388 = arith.constant 0 : i32
      %dma_start3A_389 = arith.constant 0 : i32
      %dma_start3A_390 = arith.constant 0 : i32
      %dma_start3A_391 = tpu.memref_slice %arg7[%dma_start3A_387, %dma_start3A_389, %dma_start3A_390] : memref<3x80x128xf32, #tpu.memory_space<vmem>> -> memref<1x80x128xf32, #tpu.memory_space<vmem>>
      %dma_start3A_392 = tpu.memref_squeeze %dma_start3A_391 : memref<1x80x128xf32, #tpu.memory_space<vmem>> -> memref<80x128xf32, #tpu.memory_space<vmem>>
      %dma_start3A_393 = arith.constant 0 : i32
      %dma_start3A_394 = tpu.memref_slice %arg6[%add3A_368, %dma_start3A_393] : memref<125x80xi32, #tpu.memory_space<vmem>> -> memref<1x80xi32, #tpu.memory_space<vmem>>
      %dma_start3A_395 = tpu.memref_squeeze %dma_start3A_394 : memref<1x80xi32, #tpu.memory_space<vmem>> -> memref<80xi32, #tpu.memory_space<vmem>>
      %dma_start3A_396 = arith.constant 0 : i32
      %dma_start3A_397 = arith.constant 0 : i32
      %dma_start3A_398 = tpu.memref_slice %arg8[%dma_start3A_396, %dma_start3A_397] : memref<10000x128xf32, #tpu.memory_space<vmem_shared>> -> memref<10000x128xf32, #tpu.memory_space<vmem_shared>>
      %dma_start3A_399 = tpu.memref_slice %arg11[%dma_start3A_388] : memref<3x!tpu.dma_semaphore, #tpu.memory_space<semaphore_mem>> -> memref<1x!tpu.dma_semaphore, #tpu.memory_space<semaphore_mem>>
      %dma_start3A_400 = tpu.memref_squeeze %dma_start3A_399 : memref<1x!tpu.dma_semaphore, #tpu.memory_space<semaphore_mem>> -> memref<!tpu.dma_semaphore, #tpu.memory_space<semaphore_mem>>
      tpu.enqueue_indirect_dma source(%dma_start3A_392 : memref<80x128xf32, #tpu.memory_space<vmem>>) target(%dma_start3A_398 : memref<10000x128xf32, #tpu.memory_space<vmem_shared>>) offsets(%dma_start3A_395 : memref<80xi32, #tpu.memory_space<vmem>>) semaphore(%dma_start3A_400 : memref<!tpu.dma_semaphore, #tpu.memory_space<semaphore_mem>>) {add = true}
      %dma_wait3A_401 = arith.constant 2 : i32
      %dma_wait3A_402 = arith.constant 0 : i32
      %dma_wait3A_403 = arith.constant 2 : i32
      %dma_wait3A_404 = arith.constant 0 : i32
      %dma_wait3A_405 = arith.constant 0 : i32
      %dma_wait3A_406 = tpu.memref_slice %arg7[%dma_wait3A_401, %dma_wait3A_404, %dma_wait3A_405] : memref<3x80x128xf32, #tpu.memory_space<vmem>> -> memref<1x80x128xf32, #tpu.memory_space<vmem>>
      %dma_wait3A_407 = tpu.memref_squeeze %dma_wait3A_406 : memref<1x80x128xf32, #tpu.memory_space<vmem>> -> memref<80x128xf32, #tpu.memory_space<vmem>>
      %dma_wait3A_408 = arith.constant 0 : i32
      %dma_wait3A_409 = tpu.memref_slice %arg6[%dma_wait3A_402, %dma_wait3A_408] : memref<125x80xi32, #tpu.memory_space<vmem>> -> memref<1x80xi32, #tpu.memory_space<vmem>>
      %dma_wait3A_410 = tpu.memref_squeeze %dma_wait3A_409 : memref<1x80xi32, #tpu.memory_space<vmem>> -> memref<80xi32, #tpu.memory_space<vmem>>
      %dma_wait3A_411 = arith.constant 0 : i32
      %dma_wait3A_412 = arith.constant 0 : i32
      %dma_wait3A_413 = tpu.memref_slice %arg8[%dma_wait3A_411, %dma_wait3A_412] : memref<10000x128xf32, #tpu.memory_space<vmem_shared>> -> memref<10000x128xf32, #tpu.memory_space<vmem_shared>>
      %dma_wait3A_414 = tpu.memref_slice %arg11[%dma_wait3A_403] : memref<3x!tpu.dma_semaphore, #tpu.memory_space<semaphore_mem>> -> memref<1x!tpu.dma_semaphore, #tpu.memory_space<semaphore_mem>>
      %dma_wait3A_415 = tpu.memref_squeeze %dma_wait3A_414 : memref<1x!tpu.dma_semaphore, #tpu.memory_space<semaphore_mem>> -> memref<!tpu.dma_semaphore, #tpu.memory_space<semaphore_mem>>
      tpu.wait_indirect_dma semaphore(%dma_wait3A_415 : memref<!tpu.dma_semaphore, #tpu.memory_space<semaphore_mem>>) src(%dma_wait3A_407 : memref<80x128xf32, #tpu.memory_space<vmem>>) dst(%dma_wait3A_413 : memref<10000x128xf32, #tpu.memory_space<vmem_shared>>)
      %add3A_416 = arith.constant 2 : i32
      %add3A_417 = arith.addi %add3A_368, %add3A_416 : i32
      %mul3A_418 = arith.constant 80 : i32
      %mul3A_419 = arith.muli %add3A_417, %mul3A_418 : i32
      %add3A_420 = arith.addi %add3A, %mul3A_419 : i32
      %multiple_of3A_421 = tpu.assume_multiple %add3A_420, 8 : i32
      %dma_start3A_422 = arith.constant 2 : i32
      %dma_start3A_423 = arith.constant 2 : i32
      %dma_start3A_424 = arith.constant 0 : i32
      %dma_start3A_425 = arith.constant 0 : i32
      %dma_start3A_426 = tpu.memref_slice %arg7[%dma_start3A_422, %dma_start3A_424, %dma_start3A_425] : memref<3x80x128xf32, #tpu.memory_space<vmem>> -> memref<1x80x128xf32, #tpu.memory_space<vmem>>
      %dma_start3A_427 = tpu.memref_squeeze %dma_start3A_426 : memref<1x80x128xf32, #tpu.memory_space<vmem>> -> memref<80x128xf32, #tpu.memory_space<vmem>>
      %dma_start3A_428 = arith.constant 0 : i32
      %dma_start3A_429 = tpu.memref_slice %arg2[%multiple_of3A_421, %dma_start3A_428] : memref<320000x128xf32, #tpu.memory_space<hbm>> -> memref<80x128xf32, #tpu.memory_space<hbm>>
      %dma_start3A_430 = tpu.memref_slice %arg10[%dma_start3A_423] : memref<3x!tpu.dma_semaphore, #tpu.memory_space<semaphore_mem>> -> memref<1x!tpu.dma_semaphore, #tpu.memory_space<semaphore_mem>>
      %dma_start3A_431 = tpu.memref_squeeze %dma_start3A_430 : memref<1x!tpu.dma_semaphore, #tpu.memory_space<semaphore_mem>> -> memref<!tpu.dma_semaphore, #tpu.memory_space<semaphore_mem>>
      %dma_start3A_432 = arith.constant 0 : i32
      %dma_start3A_433 = arith.constant 0 : i32
      %dma_start3A_434 = tpu.memref_slice %arg7[%dma_start3A_422, %dma_start3A_432, %dma_start3A_433] : memref<3x80x128xf32, #tpu.memory_space<vmem>> -> memref<1x80x128xf32, #tpu.memory_space<vmem>>
      %dma_start3A_435 = tpu.memref_squeeze %dma_start3A_434 : memref<1x80x128xf32, #tpu.memory_space<vmem>> -> memref<80x128xf32, #tpu.memory_space<vmem>>
      %dma_start3A_436 = arith.constant 0 : i32
      %dma_start3A_437 = tpu.memref_slice %arg2[%multiple_of3A_421, %dma_start3A_436] : memref<320000x128xf32, #tpu.memory_space<hbm>> -> memref<80x128xf32, #tpu.memory_space<hbm>>
      tpu.enqueue_dma source(%dma_start3A_437 : memref<80x128xf32, #tpu.memory_space<hbm>>) target(%dma_start3A_435 : memref<80x128xf32, #tpu.memory_space<vmem>>) target_semaphore(%dma_start3A_431 : memref<!tpu.dma_semaphore, #tpu.memory_space<semaphore_mem>>)
      %add3A_438 = arith.constant 1 : i32
      %add3A_439 = arith.addi %mul3A_366, %add3A_438 : i32
      %dma_wait3A_440 = arith.constant 1 : i32
      %dma_wait3A_441 = arith.constant 1 : i32
      %dma_wait3A_442 = arith.constant 0 : i32
      %dma_wait3A_443 = arith.constant 0 : i32
      %dma_wait3A_444 = tpu.memref_slice %arg7[%dma_wait3A_440, %dma_wait3A_442, %dma_wait3A_443] : memref<3x80x128xf32, #tpu.memory_space<vmem>> -> memref<1x80x128xf32, #tpu.memory_space<vmem>>
      %dma_wait3A_445 = tpu.memref_squeeze %dma_wait3A_444 : memref<1x80x128xf32, #tpu.memory_space<vmem>> -> memref<80x128xf32, #tpu.memory_space<vmem>>
      %dma_wait3A_446 = arith.constant 0 : i32
      %dma_wait3A_447 = arith.constant 0 : i32
      %dma_wait3A_448 = tpu.memref_slice %arg2[%dma_wait3A_446, %dma_wait3A_447] : memref<320000x128xf32, #tpu.memory_space<hbm>> -> memref<80x128xf32, #tpu.memory_space<hbm>>
      %dma_wait3A_449 = tpu.memref_slice %arg10[%dma_wait3A_441] : memref<3x!tpu.dma_semaphore, #tpu.memory_space<semaphore_mem>> -> memref<1x!tpu.dma_semaphore, #tpu.memory_space<semaphore_mem>>
      %dma_wait3A_450 = tpu.memref_squeeze %dma_wait3A_449 : memref<1x!tpu.dma_semaphore, #tpu.memory_space<semaphore_mem>> -> memref<!tpu.dma_semaphore, #tpu.memory_space<semaphore_mem>>
      %dma_wait3A_451 = arith.constant 0 : i32
      %dma_wait3A_452 = arith.constant 0 : i32
      %dma_wait3A_453 = tpu.memref_slice %arg7[%dma_wait3A_440, %dma_wait3A_451, %dma_wait3A_452] : memref<3x80x128xf32, #tpu.memory_space<vmem>> -> memref<1x80x128xf32, #tpu.memory_space<vmem>>
      %dma_wait3A_454 = tpu.memref_squeeze %dma_wait3A_453 : memref<1x80x128xf32, #tpu.memory_space<vmem>> -> memref<80x128xf32, #tpu.memory_space<vmem>>
      %dma_wait3A_455 = arith.constant 0 : i32
      %dma_wait3A_456 = arith.constant 0 : i32
      %dma_wait3A_457 = tpu.memref_slice %arg2[%dma_wait3A_455, %dma_wait3A_456] : memref<320000x128xf32, #tpu.memory_space<hbm>> -> memref<80x128xf32, #tpu.memory_space<hbm>>
      tpu.wait_dma2 semaphore(%dma_wait3A_450 : memref<!tpu.dma_semaphore, #tpu.memory_space<semaphore_mem>>) src(%dma_wait3A_457 : memref<80x128xf32, #tpu.memory_space<hbm>>) dst(%dma_wait3A_454 : memref<80x128xf32, #tpu.memory_space<vmem>>)
      %dma_start3A_458 = arith.constant 1 : i32
      %dma_start3A_459 = arith.constant 1 : i32
      %dma_start3A_460 = arith.constant 0 : i32
      %dma_start3A_461 = arith.constant 0 : i32
      %dma_start3A_462 = tpu.memref_slice %arg7[%dma_start3A_458, %dma_start3A_460, %dma_start3A_461] : memref<3x80x128xf32, #tpu.memory_space<vmem>> -> memref<1x80x128xf32, #tpu.memory_space<vmem>>
      %dma_start3A_463 = tpu.memref_squeeze %dma_start3A_462 : memref<1x80x128xf32, #tpu.memory_space<vmem>> -> memref<80x128xf32, #tpu.memory_space<vmem>>
      %dma_start3A_464 = arith.constant 0 : i32
      %dma_start3A_465 = tpu.memref_slice %arg6[%add3A_439, %dma_start3A_464] : memref<125x80xi32, #tpu.memory_space<vmem>> -> memref<1x80xi32, #tpu.memory_space<vmem>>
      %dma_start3A_466 = tpu.memref_squeeze %dma_start3A_465 : memref<1x80xi32, #tpu.memory_space<vmem>> -> memref<80xi32, #tpu.memory_space<vmem>>
      %dma_start3A_467 = arith.constant 0 : i32
      %dma_start3A_468 = arith.constant 0 : i32
      %dma_start3A_469 = tpu.memref_slice %arg8[%dma_start3A_467, %dma_start3A_468] : memref<10000x128xf32, #tpu.memory_space<vmem_shared>> -> memref<10000x128xf32, #tpu.memory_space<vmem_shared>>
      %dma_start3A_470 = tpu.memref_slice %arg11[%dma_start3A_459] : memref<3x!tpu.dma_semaphore, #tpu.memory_space<semaphore_mem>> -> memref<1x!tpu.dma_semaphore, #tpu.memory_space<semaphore_mem>>
      %dma_start3A_471 = tpu.memref_squeeze %dma_start3A_470 : memref<1x!tpu.dma_semaphore, #tpu.memory_space<semaphore_mem>> -> memref<!tpu.dma_semaphore, #tpu.memory_space<semaphore_mem>>
      tpu.enqueue_indirect_dma source(%dma_start3A_463 : memref<80x128xf32, #tpu.memory_space<vmem>>) target(%dma_start3A_469 : memref<10000x128xf32, #tpu.memory_space<vmem_shared>>) offsets(%dma_start3A_466 : memref<80xi32, #tpu.memory_space<vmem>>) semaphore(%dma_start3A_471 : memref<!tpu.dma_semaphore, #tpu.memory_space<semaphore_mem>>) {add = true}
      %dma_wait3A_472 = arith.constant 0 : i32
      %dma_wait3A_473 = arith.constant 0 : i32
      %dma_wait3A_474 = arith.constant 0 : i32
      %dma_wait3A_475 = arith.constant 0 : i32
      %dma_wait3A_476 = arith.constant 0 : i32
      %dma_wait3A_477 = tpu.memref_slice %arg7[%dma_wait3A_472, %dma_wait3A_475, %dma_wait3A_476] : memref<3x80x128xf32, #tpu.memory_space<vmem>> -> memref<1x80x128xf32, #tpu.memory_space<vmem>>
      %dma_wait3A_478 = tpu.memref_squeeze %dma_wait3A_477 : memref<1x80x128xf32, #tpu.memory_space<vmem>> -> memref<80x128xf32, #tpu.memory_space<vmem>>
      %dma_wait3A_479 = arith.constant 0 : i32
      %dma_wait3A_480 = tpu.memref_slice %arg6[%dma_wait3A_473, %dma_wait3A_479] : memref<125x80xi32, #tpu.memory_space<vmem>> -> memref<1x80xi32, #tpu.memory_space<vmem>>
      %dma_wait3A_481 = tpu.memref_squeeze %dma_wait3A_480 : memref<1x80xi32, #tpu.memory_space<vmem>> -> memref<80xi32, #tpu.memory_space<vmem>>
      %dma_wait3A_482 = arith.constant 0 : i32
      %dma_wait3A_483 = arith.constant 0 : i32
      %dma_wait3A_484 = tpu.memref_slice %arg8[%dma_wait3A_482, %dma_wait3A_483] : memref<10000x128xf32, #tpu.memory_space<vmem_shared>> -> memref<10000x128xf32, #tpu.memory_space<vmem_shared>>
      %dma_wait3A_485 = tpu.memref_slice %arg11[%dma_wait3A_474] : memref<3x!tpu.dma_semaphore, #tpu.memory_space<semaphore_mem>> -> memref<1x!tpu.dma_semaphore, #tpu.memory_space<semaphore_mem>>
      %dma_wait3A_486 = tpu.memref_squeeze %dma_wait3A_485 : memref<1x!tpu.dma_semaphore, #tpu.memory_space<semaphore_mem>> -> memref<!tpu.dma_semaphore, #tpu.memory_space<semaphore_mem>>
      tpu.wait_indirect_dma semaphore(%dma_wait3A_486 : memref<!tpu.dma_semaphore, #tpu.memory_space<semaphore_mem>>) src(%dma_wait3A_478 : memref<80x128xf32, #tpu.memory_space<vmem>>) dst(%dma_wait3A_484 : memref<10000x128xf32, #tpu.memory_space<vmem_shared>>)
      %add3A_487 = arith.constant 2 : i32
      %add3A_488 = arith.addi %add3A_439, %add3A_487 : i32
      %mul3A_489 = arith.constant 80 : i32
      %mul3A_490 = arith.muli %add3A_488, %mul3A_489 : i32
      %add3A_491 = arith.addi %add3A, %mul3A_490 : i32
      %multiple_of3A_492 = tpu.assume_multiple %add3A_491, 8 : i32
      %dma_start3A_493 = arith.constant 0 : i32
      %dma_start3A_494 = arith.constant 0 : i32
      %dma_start3A_495 = arith.constant 0 : i32
      %dma_start3A_496 = arith.constant 0 : i32
      %dma_start3A_497 = tpu.memref_slice %arg7[%dma_start3A_493, %dma_start3A_495, %dma_start3A_496] : memref<3x80x128xf32, #tpu.memory_space<vmem>> -> memref<1x80x128xf32, #tpu.memory_space<vmem>>
      %dma_start3A_498 = tpu.memref_squeeze %dma_start3A_497 : memref<1x80x128xf32, #tpu.memory_space<vmem>> -> memref<80x128xf32, #tpu.memory_space<vmem>>
      %dma_start3A_499 = arith.constant 0 : i32
      %dma_start3A_500 = tpu.memref_slice %arg2[%multiple_of3A_492, %dma_start3A_499] : memref<320000x128xf32, #tpu.memory_space<hbm>> -> memref<80x128xf32, #tpu.memory_space<hbm>>
      %dma_start3A_501 = tpu.memref_slice %arg10[%dma_start3A_494] : memref<3x!tpu.dma_semaphore, #tpu.memory_space<semaphore_mem>> -> memref<1x!tpu.dma_semaphore, #tpu.memory_space<semaphore_mem>>
      %dma_start3A_502 = tpu.memref_squeeze %dma_start3A_501 : memref<1x!tpu.dma_semaphore, #tpu.memory_space<semaphore_mem>> -> memref<!tpu.dma_semaphore, #tpu.memory_space<semaphore_mem>>
      %dma_start3A_503 = arith.constant 0 : i32
      %dma_start3A_504 = arith.constant 0 : i32
      %dma_start3A_505 = tpu.memref_slice %arg7[%dma_start3A_493, %dma_start3A_503, %dma_start3A_504] : memref<3x80x128xf32, #tpu.memory_space<vmem>> -> memref<1x80x128xf32, #tpu.memory_space<vmem>>
      %dma_start3A_506 = tpu.memref_squeeze %dma_start3A_505 : memref<1x80x128xf32, #tpu.memory_space<vmem>> -> memref<80x128xf32, #tpu.memory_space<vmem>>
      %dma_start3A_507 = arith.constant 0 : i32
      %dma_start3A_508 = tpu.memref_slice %arg2[%multiple_of3A_492, %dma_start3A_507] : memref<320000x128xf32, #tpu.memory_space<hbm>> -> memref<80x128xf32, #tpu.memory_space<hbm>>
      tpu.enqueue_dma source(%dma_start3A_508 : memref<80x128xf32, #tpu.memory_space<hbm>>) target(%dma_start3A_506 : memref<80x128xf32, #tpu.memory_space<vmem>>) target_semaphore(%dma_start3A_502 : memref<!tpu.dma_semaphore, #tpu.memory_space<semaphore_mem>>)
      %add3A_509 = arith.constant 2 : i32
      %add3A_510 = arith.addi %mul3A_366, %add3A_509 : i32
      %dma_wait3A_511 = arith.constant 2 : i32
      %dma_wait3A_512 = arith.constant 2 : i32
      %dma_wait3A_513 = arith.constant 0 : i32
      %dma_wait3A_514 = arith.constant 0 : i32
      %dma_wait3A_515 = tpu.memref_slice %arg7[%dma_wait3A_511, %dma_wait3A_513, %dma_wait3A_514] : memref<3x80x128xf32, #tpu.memory_space<vmem>> -> memref<1x80x128xf32, #tpu.memory_space<vmem>>
      %dma_wait3A_516 = tpu.memref_squeeze %dma_wait3A_515 : memref<1x80x128xf32, #tpu.memory_space<vmem>> -> memref<80x128xf32, #tpu.memory_space<vmem>>
      %dma_wait3A_517 = arith.constant 0 : i32
      %dma_wait3A_518 = arith.constant 0 : i32
      %dma_wait3A_519 = tpu.memref_slice %arg2[%dma_wait3A_517, %dma_wait3A_518] : memref<320000x128xf32, #tpu.memory_space<hbm>> -> memref<80x128xf32, #tpu.memory_space<hbm>>
      %dma_wait3A_520 = tpu.memref_slice %arg10[%dma_wait3A_512] : memref<3x!tpu.dma_semaphore, #tpu.memory_space<semaphore_mem>> -> memref<1x!tpu.dma_semaphore, #tpu.memory_space<semaphore_mem>>
      %dma_wait3A_521 = tpu.memref_squeeze %dma_wait3A_520 : memref<1x!tpu.dma_semaphore, #tpu.memory_space<semaphore_mem>> -> memref<!tpu.dma_semaphore, #tpu.memory_space<semaphore_mem>>
      %dma_wait3A_522 = arith.constant 0 : i32
      %dma_wait3A_523 = arith.constant 0 : i32
      %dma_wait3A_524 = tpu.memref_slice %arg7[%dma_wait3A_511, %dma_wait3A_522, %dma_wait3A_523] : memref<3x80x128xf32, #tpu.memory_space<vmem>> -> memref<1x80x128xf32, #tpu.memory_space<vmem>>
      %dma_wait3A_525 = tpu.memref_squeeze %dma_wait3A_524 : memref<1x80x128xf32, #tpu.memory_space<vmem>> -> memref<80x128xf32, #tpu.memory_space<vmem>>
      %dma_wait3A_526 = arith.constant 0 : i32
      %dma_wait3A_527 = arith.constant 0 : i32
      %dma_wait3A_528 = tpu.memref_slice %arg2[%dma_wait3A_526, %dma_wait3A_527] : memref<320000x128xf32, #tpu.memory_space<hbm>> -> memref<80x128xf32, #tpu.memory_space<hbm>>
      tpu.wait_dma2 semaphore(%dma_wait3A_521 : memref<!tpu.dma_semaphore, #tpu.memory_space<semaphore_mem>>) src(%dma_wait3A_528 : memref<80x128xf32, #tpu.memory_space<hbm>>) dst(%dma_wait3A_525 : memref<80x128xf32, #tpu.memory_space<vmem>>)
      %dma_start3A_529 = arith.constant 2 : i32
      %dma_start3A_530 = arith.constant 2 : i32
      %dma_start3A_531 = arith.constant 0 : i32
      %dma_start3A_532 = arith.constant 0 : i32
      %dma_start3A_533 = tpu.memref_slice %arg7[%dma_start3A_529, %dma_start3A_531, %dma_start3A_532] : memref<3x80x128xf32, #tpu.memory_space<vmem>> -> memref<1x80x128xf32, #tpu.memory_space<vmem>>
      %dma_start3A_534 = tpu.memref_squeeze %dma_start3A_533 : memref<1x80x128xf32, #tpu.memory_space<vmem>> -> memref<80x128xf32, #tpu.memory_space<vmem>>
      %dma_start3A_535 = arith.constant 0 : i32
      %dma_start3A_536 = tpu.memref_slice %arg6[%add3A_510, %dma_start3A_535] : memref<125x80xi32, #tpu.memory_space<vmem>> -> memref<1x80xi32, #tpu.memory_space<vmem>>
      %dma_start3A_537 = tpu.memref_squeeze %dma_start3A_536 : memref<1x80xi32, #tpu.memory_space<vmem>> -> memref<80xi32, #tpu.memory_space<vmem>>
      %dma_start3A_538 = arith.constant 0 : i32
      %dma_start3A_539 = arith.constant 0 : i32
      %dma_start3A_540 = tpu.memref_slice %arg8[%dma_start3A_538, %dma_start3A_539] : memref<10000x128xf32, #tpu.memory_space<vmem_shared>> -> memref<10000x128xf32, #tpu.memory_space<vmem_shared>>
      %dma_start3A_541 = tpu.memref_slice %arg11[%dma_start3A_530] : memref<3x!tpu.dma_semaphore, #tpu.memory_space<semaphore_mem>> -> memref<1x!tpu.dma_semaphore, #tpu.memory_space<semaphore_mem>>
      %dma_start3A_542 = tpu.memref_squeeze %dma_start3A_541 : memref<1x!tpu.dma_semaphore, #tpu.memory_space<semaphore_mem>> -> memref<!tpu.dma_semaphore, #tpu.memory_space<semaphore_mem>>
      tpu.enqueue_indirect_dma source(%dma_start3A_534 : memref<80x128xf32, #tpu.memory_space<vmem>>) target(%dma_start3A_540 : memref<10000x128xf32, #tpu.memory_space<vmem_shared>>) offsets(%dma_start3A_537 : memref<80xi32, #tpu.memory_space<vmem>>) semaphore(%dma_start3A_542 : memref<!tpu.dma_semaphore, #tpu.memory_space<semaphore_mem>>) {add = true}
      %dma_wait3A_543 = arith.constant 1 : i32
      %dma_wait3A_544 = arith.constant 0 : i32
      %dma_wait3A_545 = arith.constant 1 : i32
      %dma_wait3A_546 = arith.constant 0 : i32
      %dma_wait3A_547 = arith.constant 0 : i32
      %dma_wait3A_548 = tpu.memref_slice %arg7[%dma_wait3A_543, %dma_wait3A_546, %dma_wait3A_547] : memref<3x80x128xf32, #tpu.memory_space<vmem>> -> memref<1x80x128xf32, #tpu.memory_space<vmem>>
      %dma_wait3A_549 = tpu.memref_squeeze %dma_wait3A_548 : memref<1x80x128xf32, #tpu.memory_space<vmem>> -> memref<80x128xf32, #tpu.memory_space<vmem>>
      %dma_wait3A_550 = arith.constant 0 : i32
      %dma_wait3A_551 = tpu.memref_slice %arg6[%dma_wait3A_544, %dma_wait3A_550] : memref<125x80xi32, #tpu.memory_space<vmem>> -> memref<1x80xi32, #tpu.memory_space<vmem>>
      %dma_wait3A_552 = tpu.memref_squeeze %dma_wait3A_551 : memref<1x80xi32, #tpu.memory_space<vmem>> -> memref<80xi32, #tpu.memory_space<vmem>>
      %dma_wait3A_553 = arith.constant 0 : i32
      %dma_wait3A_554 = arith.constant 0 : i32
      %dma_wait3A_555 = tpu.memref_slice %arg8[%dma_wait3A_553, %dma_wait3A_554] : memref<10000x128xf32, #tpu.memory_space<vmem_shared>> -> memref<10000x128xf32, #tpu.memory_space<vmem_shared>>
      %dma_wait3A_556 = tpu.memref_slice %arg11[%dma_wait3A_545] : memref<3x!tpu.dma_semaphore, #tpu.memory_space<semaphore_mem>> -> memref<1x!tpu.dma_semaphore, #tpu.memory_space<semaphore_mem>>
      %dma_wait3A_557 = tpu.memref_squeeze %dma_wait3A_556 : memref<1x!tpu.dma_semaphore, #tpu.memory_space<semaphore_mem>> -> memref<!tpu.dma_semaphore, #tpu.memory_space<semaphore_mem>>
      tpu.wait_indirect_dma semaphore(%dma_wait3A_557 : memref<!tpu.dma_semaphore, #tpu.memory_space<semaphore_mem>>) src(%dma_wait3A_549 : memref<80x128xf32, #tpu.memory_space<vmem>>) dst(%dma_wait3A_555 : memref<10000x128xf32, #tpu.memory_space<vmem_shared>>)
      %add3A_558 = arith.constant 2 : i32
      %add3A_559 = arith.addi %add3A_510, %add3A_558 : i32
      %mul3A_560 = arith.constant 80 : i32
      %mul3A_561 = arith.muli %add3A_559, %mul3A_560 : i32
      %add3A_562 = arith.addi %add3A, %mul3A_561 : i32
      %multiple_of3A_563 = tpu.assume_multiple %add3A_562, 8 : i32
      %dma_start3A_564 = arith.constant 1 : i32
      %dma_start3A_565 = arith.constant 1 : i32
      %dma_start3A_566 = arith.constant 0 : i32
      %dma_start3A_567 = arith.constant 0 : i32
      %dma_start3A_568 = tpu.memref_slice %arg7[%dma_start3A_564, %dma_start3A_566, %dma_start3A_567] : memref<3x80x128xf32, #tpu.memory_space<vmem>> -> memref<1x80x128xf32, #tpu.memory_space<vmem>>
      %dma_start3A_569 = tpu.memref_squeeze %dma_start3A_568 : memref<1x80x128xf32, #tpu.memory_space<vmem>> -> memref<80x128xf32, #tpu.memory_space<vmem>>
      %dma_start3A_570 = arith.constant 0 : i32
      %dma_start3A_571 = tpu.memref_slice %arg2[%multiple_of3A_563, %dma_start3A_570] : memref<320000x128xf32, #tpu.memory_space<hbm>> -> memref<80x128xf32, #tpu.memory_space<hbm>>
      %dma_start3A_572 = tpu.memref_slice %arg10[%dma_start3A_565] : memref<3x!tpu.dma_semaphore, #tpu.memory_space<semaphore_mem>> -> memref<1x!tpu.dma_semaphore, #tpu.memory_space<semaphore_mem>>
      %dma_start3A_573 = tpu.memref_squeeze %dma_start3A_572 : memref<1x!tpu.dma_semaphore, #tpu.memory_space<semaphore_mem>> -> memref<!tpu.dma_semaphore, #tpu.memory_space<semaphore_mem>>
      %dma_start3A_574 = arith.constant 0 : i32
      %dma_start3A_575 = arith.constant 0 : i32
      %dma_start3A_576 = tpu.memref_slice %arg7[%dma_start3A_564, %dma_start3A_574, %dma_start3A_575] : memref<3x80x128xf32, #tpu.memory_space<vmem>> -> memref<1x80x128xf32, #tpu.memory_space<vmem>>
      %dma_start3A_577 = tpu.memref_squeeze %dma_start3A_576 : memref<1x80x128xf32, #tpu.memory_space<vmem>> -> memref<80x128xf32, #tpu.memory_space<vmem>>
      %dma_start3A_578 = arith.constant 0 : i32
      %dma_start3A_579 = tpu.memref_slice %arg2[%multiple_of3A_563, %dma_start3A_578] : memref<320000x128xf32, #tpu.memory_space<hbm>> -> memref<80x128xf32, #tpu.memory_space<hbm>>
      tpu.enqueue_dma source(%dma_start3A_579 : memref<80x128xf32, #tpu.memory_space<hbm>>) target(%dma_start3A_577 : memref<80x128xf32, #tpu.memory_space<vmem>>) target_semaphore(%dma_start3A_573 : memref<!tpu.dma_semaphore, #tpu.memory_space<semaphore_mem>>)
    }
    %scan3A_248 = arith.constant 40 : i32
    %dma_wait3A_249 = arith.constant 0 : i32
    %dma_wait3A_250 = arith.constant 0 : i32
    %dma_wait3A_251 = arith.constant 0 : i32
    %dma_wait3A_252 = arith.constant 0 : i32
    %dma_wait3A_253 = tpu.memref_slice %arg7[%dma_wait3A_249, %dma_wait3A_251, %dma_wait3A_252] : memref<3x80x128xf32, #tpu.memory_space<vmem>> -> memref<1x80x128xf32, #tpu.memory_space<vmem>>
    %dma_wait3A_254 = tpu.memref_squeeze %dma_wait3A_253 : memref<1x80x128xf32, #tpu.memory_space<vmem>> -> memref<80x128xf32, #tpu.memory_space<vmem>>
    %dma_wait3A_255 = arith.constant 0 : i32
    %dma_wait3A_256 = arith.constant 0 : i32
    %dma_wait3A_257 = tpu.memref_slice %arg2[%dma_wait3A_255, %dma_wait3A_256] : memref<320000x128xf32, #tpu.memory_space<hbm>> -> memref<80x128xf32, #tpu.memory_space<hbm>>
    %dma_wait3A_258 = tpu.memref_slice %arg10[%dma_wait3A_250] : memref<3x!tpu.dma_semaphore, #tpu.memory_space<semaphore_mem>> -> memref<1x!tpu.dma_semaphore, #tpu.memory_space<semaphore_mem>>
    %dma_wait3A_259 = tpu.memref_squeeze %dma_wait3A_258 : memref<1x!tpu.dma_semaphore, #tpu.memory_space<semaphore_mem>> -> memref<!tpu.dma_semaphore, #tpu.memory_space<semaphore_mem>>
    %dma_wait3A_260 = arith.constant 0 : i32
    %dma_wait3A_261 = arith.constant 0 : i32
    %dma_wait3A_262 = tpu.memref_slice %arg7[%dma_wait3A_249, %dma_wait3A_260, %dma_wait3A_261] : memref<3x80x128xf32, #tpu.memory_space<vmem>> -> memref<1x80x128xf32, #tpu.memory_space<vmem>>
    %dma_wait3A_263 = tpu.memref_squeeze %dma_wait3A_262 : memref<1x80x128xf32, #tpu.memory_space<vmem>> -> memref<80x128xf32, #tpu.memory_space<vmem>>
    %dma_wait3A_264 = arith.constant 0 : i32
    %dma_wait3A_265 = arith.constant 0 : i32
    %dma_wait3A_266 = tpu.memref_slice %arg2[%dma_wait3A_264, %dma_wait3A_265] : memref<320000x128xf32, #tpu.memory_space<hbm>> -> memref<80x128xf32, #tpu.memory_space<hbm>>
    tpu.wait_dma2 semaphore(%dma_wait3A_259 : memref<!tpu.dma_semaphore, #tpu.memory_space<semaphore_mem>>) src(%dma_wait3A_266 : memref<80x128xf32, #tpu.memory_space<hbm>>) dst(%dma_wait3A_263 : memref<80x128xf32, #tpu.memory_space<vmem>>)
    %dma_start3A_267 = arith.constant 0 : i32
    %dma_start3A_268 = arith.constant 123 : i32
    %dma_start3A_269 = arith.constant 0 : i32
    %dma_start3A_270 = arith.constant 0 : i32
    %dma_start3A_271 = arith.constant 0 : i32
    %dma_start3A_272 = tpu.memref_slice %arg7[%dma_start3A_267, %dma_start3A_270, %dma_start3A_271] : memref<3x80x128xf32, #tpu.memory_space<vmem>> -> memref<1x80x128xf32, #tpu.memory_space<vmem>>
    %dma_start3A_273 = tpu.memref_squeeze %dma_start3A_272 : memref<1x80x128xf32, #tpu.memory_space<vmem>> -> memref<80x128xf32, #tpu.memory_space<vmem>>
    %dma_start3A_274 = arith.constant 0 : i32
    %dma_start3A_275 = tpu.memref_slice %arg6[%dma_start3A_268, %dma_start3A_274] : memref<125x80xi32, #tpu.memory_space<vmem>> -> memref<1x80xi32, #tpu.memory_space<vmem>>
    %dma_start3A_276 = tpu.memref_squeeze %dma_start3A_275 : memref<1x80xi32, #tpu.memory_space<vmem>> -> memref<80xi32, #tpu.memory_space<vmem>>
    %dma_start3A_277 = arith.constant 0 : i32
    %dma_start3A_278 = arith.constant 0 : i32
    %dma_start3A_279 = tpu.memref_slice %arg8[%dma_start3A_277, %dma_start3A_278] : memref<10000x128xf32, #tpu.memory_space<vmem_shared>> -> memref<10000x128xf32, #tpu.memory_space<vmem_shared>>
    %dma_start3A_280 = tpu.memref_slice %arg11[%dma_start3A_269] : memref<3x!tpu.dma_semaphore, #tpu.memory_space<semaphore_mem>> -> memref<1x!tpu.dma_semaphore, #tpu.memory_space<semaphore_mem>>
    %dma_start3A_281 = tpu.memref_squeeze %dma_start3A_280 : memref<1x!tpu.dma_semaphore, #tpu.memory_space<semaphore_mem>> -> memref<!tpu.dma_semaphore, #tpu.memory_space<semaphore_mem>>
    tpu.enqueue_indirect_dma source(%dma_start3A_273 : memref<80x128xf32, #tpu.memory_space<vmem>>) target(%dma_start3A_279 : memref<10000x128xf32, #tpu.memory_space<vmem_shared>>) offsets(%dma_start3A_276 : memref<80xi32, #tpu.memory_space<vmem>>) semaphore(%dma_start3A_281 : memref<!tpu.dma_semaphore, #tpu.memory_space<semaphore_mem>>) {add = true}
    %dma_wait3A_282 = arith.constant 2 : i32
    %dma_wait3A_283 = arith.constant 0 : i32
    %dma_wait3A_284 = arith.constant 2 : i32
    %dma_wait3A_285 = arith.constant 0 : i32
    %dma_wait3A_286 = arith.constant 0 : i32
    %dma_wait3A_287 = tpu.memref_slice %arg7[%dma_wait3A_282, %dma_wait3A_285, %dma_wait3A_286] : memref<3x80x128xf32, #tpu.memory_space<vmem>> -> memref<1x80x128xf32, #tpu.memory_space<vmem>>
    %dma_wait3A_288 = tpu.memref_squeeze %dma_wait3A_287 : memref<1x80x128xf32, #tpu.memory_space<vmem>> -> memref<80x128xf32, #tpu.memory_space<vmem>>
    %dma_wait3A_289 = arith.constant 0 : i32
    %dma_wait3A_290 = tpu.memref_slice %arg6[%dma_wait3A_283, %dma_wait3A_289] : memref<125x80xi32, #tpu.memory_space<vmem>> -> memref<1x80xi32, #tpu.memory_space<vmem>>
    %dma_wait3A_291 = tpu.memref_squeeze %dma_wait3A_290 : memref<1x80xi32, #tpu.memory_space<vmem>> -> memref<80xi32, #tpu.memory_space<vmem>>
    %dma_wait3A_292 = arith.constant 0 : i32
    %dma_wait3A_293 = arith.constant 0 : i32
    %dma_wait3A_294 = tpu.memref_slice %arg8[%dma_wait3A_292, %dma_wait3A_293] : memref<10000x128xf32, #tpu.memory_space<vmem_shared>> -> memref<10000x128xf32, #tpu.memory_space<vmem_shared>>
    %dma_wait3A_295 = tpu.memref_slice %arg11[%dma_wait3A_284] : memref<3x!tpu.dma_semaphore, #tpu.memory_space<semaphore_mem>> -> memref<1x!tpu.dma_semaphore, #tpu.memory_space<semaphore_mem>>
    %dma_wait3A_296 = tpu.memref_squeeze %dma_wait3A_295 : memref<1x!tpu.dma_semaphore, #tpu.memory_space<semaphore_mem>> -> memref<!tpu.dma_semaphore, #tpu.memory_space<semaphore_mem>>
    tpu.wait_indirect_dma semaphore(%dma_wait3A_296 : memref<!tpu.dma_semaphore, #tpu.memory_space<semaphore_mem>>) src(%dma_wait3A_288 : memref<80x128xf32, #tpu.memory_space<vmem>>) dst(%dma_wait3A_294 : memref<10000x128xf32, #tpu.memory_space<vmem_shared>>)
    %dma_wait3A_297 = arith.constant 1 : i32
    %dma_wait3A_298 = arith.constant 1 : i32
    %dma_wait3A_299 = arith.constant 0 : i32
    %dma_wait3A_300 = arith.constant 0 : i32
    %dma_wait3A_301 = tpu.memref_slice %arg7[%dma_wait3A_297, %dma_wait3A_299, %dma_wait3A_300] : memref<3x80x128xf32, #tpu.memory_space<vmem>> -> memref<1x80x128xf32, #tpu.memory_space<vmem>>
    %dma_wait3A_302 = tpu.memref_squeeze %dma_wait3A_301 : memref<1x80x128xf32, #tpu.memory_space<vmem>> -> memref<80x128xf32, #tpu.memory_space<vmem>>
    %dma_wait3A_303 = arith.constant 0 : i32
    %dma_wait3A_304 = arith.constant 0 : i32
    %dma_wait3A_305 = tpu.memref_slice %arg2[%dma_wait3A_303, %dma_wait3A_304] : memref<320000x128xf32, #tpu.memory_space<hbm>> -> memref<80x128xf32, #tpu.memory_space<hbm>>
    %dma_wait3A_306 = tpu.memref_slice %arg10[%dma_wait3A_298] : memref<3x!tpu.dma_semaphore, #tpu.memory_space<semaphore_mem>> -> memref<1x!tpu.dma_semaphore, #tpu.memory_space<semaphore_mem>>
    %dma_wait3A_307 = tpu.memref_squeeze %dma_wait3A_306 : memref<1x!tpu.dma_semaphore, #tpu.memory_space<semaphore_mem>> -> memref<!tpu.dma_semaphore, #tpu.memory_space<semaphore_mem>>
    %dma_wait3A_308 = arith.constant 0 : i32
    %dma_wait3A_309 = arith.constant 0 : i32
    %dma_wait3A_310 = tpu.memref_slice %arg7[%dma_wait3A_297, %dma_wait3A_308, %dma_wait3A_309] : memref<3x80x128xf32, #tpu.memory_space<vmem>> -> memref<1x80x128xf32, #tpu.memory_space<vmem>>
    %dma_wait3A_311 = tpu.memref_squeeze %dma_wait3A_310 : memref<1x80x128xf32, #tpu.memory_space<vmem>> -> memref<80x128xf32, #tpu.memory_space<vmem>>
    %dma_wait3A_312 = arith.constant 0 : i32
    %dma_wait3A_313 = arith.constant 0 : i32
    %dma_wait3A_314 = tpu.memref_slice %arg2[%dma_wait3A_312, %dma_wait3A_313] : memref<320000x128xf32, #tpu.memory_space<hbm>> -> memref<80x128xf32, #tpu.memory_space<hbm>>
    tpu.wait_dma2 semaphore(%dma_wait3A_307 : memref<!tpu.dma_semaphore, #tpu.memory_space<semaphore_mem>>) src(%dma_wait3A_314 : memref<80x128xf32, #tpu.memory_space<hbm>>) dst(%dma_wait3A_311 : memref<80x128xf32, #tpu.memory_space<vmem>>)
    %dma_start3A_315 = arith.constant 1 : i32
    %dma_start3A_316 = arith.constant 124 : i32
    %dma_start3A_317 = arith.constant 1 : i32
    %dma_start3A_318 = arith.constant 0 : i32
    %dma_start3A_319 = arith.constant 0 : i32
    %dma_start3A_320 = tpu.memref_slice %arg7[%dma_start3A_315, %dma_start3A_318, %dma_start3A_319] : memref<3x80x128xf32, #tpu.memory_space<vmem>> -> memref<1x80x128xf32, #tpu.memory_space<vmem>>
    %dma_start3A_321 = tpu.memref_squeeze %dma_start3A_320 : memref<1x80x128xf32, #tpu.memory_space<vmem>> -> memref<80x128xf32, #tpu.memory_space<vmem>>
    %dma_start3A_322 = arith.constant 0 : i32
    %dma_start3A_323 = tpu.memref_slice %arg6[%dma_start3A_316, %dma_start3A_322] : memref<125x80xi32, #tpu.memory_space<vmem>> -> memref<1x80xi32, #tpu.memory_space<vmem>>
    %dma_start3A_324 = tpu.memref_squeeze %dma_start3A_323 : memref<1x80xi32, #tpu.memory_space<vmem>> -> memref<80xi32, #tpu.memory_space<vmem>>
    %dma_start3A_325 = arith.constant 0 : i32
    %dma_start3A_326 = arith.constant 0 : i32
    %dma_start3A_327 = tpu.memref_slice %arg8[%dma_start3A_325, %dma_start3A_326] : memref<10000x128xf32, #tpu.memory_space<vmem_shared>> -> memref<10000x128xf32, #tpu.memory_space<vmem_shared>>
    %dma_start3A_328 = tpu.memref_slice %arg11[%dma_start3A_317] : memref<3x!tpu.dma_semaphore, #tpu.memory_space<semaphore_mem>> -> memref<1x!tpu.dma_semaphore, #tpu.memory_space<semaphore_mem>>
    %dma_start3A_329 = tpu.memref_squeeze %dma_start3A_328 : memref<1x!tpu.dma_semaphore, #tpu.memory_space<semaphore_mem>> -> memref<!tpu.dma_semaphore, #tpu.memory_space<semaphore_mem>>
    tpu.enqueue_indirect_dma source(%dma_start3A_321 : memref<80x128xf32, #tpu.memory_space<vmem>>) target(%dma_start3A_327 : memref<10000x128xf32, #tpu.memory_space<vmem_shared>>) offsets(%dma_start3A_324 : memref<80xi32, #tpu.memory_space<vmem>>) semaphore(%dma_start3A_329 : memref<!tpu.dma_semaphore, #tpu.memory_space<semaphore_mem>>) {add = true}
    %dma_wait3A_330 = arith.constant 0 : i32
    %dma_wait3A_331 = arith.constant 0 : i32
    %dma_wait3A_332 = arith.constant 0 : i32
    %dma_wait3A_333 = arith.constant 0 : i32
    %dma_wait3A_334 = arith.constant 0 : i32
    %dma_wait3A_335 = tpu.memref_slice %arg7[%dma_wait3A_330, %dma_wait3A_333, %dma_wait3A_334] : memref<3x80x128xf32, #tpu.memory_space<vmem>> -> memref<1x80x128xf32, #tpu.memory_space<vmem>>
    %dma_wait3A_336 = tpu.memref_squeeze %dma_wait3A_335 : memref<1x80x128xf32, #tpu.memory_space<vmem>> -> memref<80x128xf32, #tpu.memory_space<vmem>>
    %dma_wait3A_337 = arith.constant 0 : i32
    %dma_wait3A_338 = tpu.memref_slice %arg6[%dma_wait3A_331, %dma_wait3A_337] : memref<125x80xi32, #tpu.memory_space<vmem>> -> memref<1x80xi32, #tpu.memory_space<vmem>>
    %dma_wait3A_339 = tpu.memref_squeeze %dma_wait3A_338 : memref<1x80xi32, #tpu.memory_space<vmem>> -> memref<80xi32, #tpu.memory_space<vmem>>
    %dma_wait3A_340 = arith.constant 0 : i32
    %dma_wait3A_341 = arith.constant 0 : i32
    %dma_wait3A_342 = tpu.memref_slice %arg8[%dma_wait3A_340, %dma_wait3A_341] : memref<10000x128xf32, #tpu.memory_space<vmem_shared>> -> memref<10000x128xf32, #tpu.memory_space<vmem_shared>>
    %dma_wait3A_343 = tpu.memref_slice %arg11[%dma_wait3A_332] : memref<3x!tpu.dma_semaphore, #tpu.memory_space<semaphore_mem>> -> memref<1x!tpu.dma_semaphore, #tpu.memory_space<semaphore_mem>>
    %dma_wait3A_344 = tpu.memref_squeeze %dma_wait3A_343 : memref<1x!tpu.dma_semaphore, #tpu.memory_space<semaphore_mem>> -> memref<!tpu.dma_semaphore, #tpu.memory_space<semaphore_mem>>
    tpu.wait_indirect_dma semaphore(%dma_wait3A_344 : memref<!tpu.dma_semaphore, #tpu.memory_space<semaphore_mem>>) src(%dma_wait3A_336 : memref<80x128xf32, #tpu.memory_space<vmem>>) dst(%dma_wait3A_342 : memref<10000x128xf32, #tpu.memory_space<vmem_shared>>)
    %dma_wait3A_345 = arith.constant 1 : i32
    %dma_wait3A_346 = arith.constant 0 : i32
    %dma_wait3A_347 = arith.constant 1 : i32
    %dma_wait3A_348 = arith.constant 0 : i32
    %dma_wait3A_349 = arith.constant 0 : i32
    %dma_wait3A_350 = tpu.memref_slice %arg7[%dma_wait3A_345, %dma_wait3A_348, %dma_wait3A_349] : memref<3x80x128xf32, #tpu.memory_space<vmem>> -> memref<1x80x128xf32, #tpu.memory_space<vmem>>
    %dma_wait3A_351 = tpu.memref_squeeze %dma_wait3A_350 : memref<1x80x128xf32, #tpu.memory_space<vmem>> -> memref<80x128xf32, #tpu.memory_space<vmem>>
    %dma_wait3A_352 = arith.constant 0 : i32
    %dma_wait3A_353 = tpu.memref_slice %arg6[%dma_wait3A_346, %dma_wait3A_352] : memref<125x80xi32, #tpu.memory_space<vmem>> -> memref<1x80xi32, #tpu.memory_space<vmem>>
    %dma_wait3A_354 = tpu.memref_squeeze %dma_wait3A_353 : memref<1x80xi32, #tpu.memory_space<vmem>> -> memref<80xi32, #tpu.memory_space<vmem>>
    %dma_wait3A_355 = arith.constant 0 : i32
    %dma_wait3A_356 = arith.constant 0 : i32
    %dma_wait3A_357 = tpu.memref_slice %arg8[%dma_wait3A_355, %dma_wait3A_356] : memref<10000x128xf32, #tpu.memory_space<vmem_shared>> -> memref<10000x128xf32, #tpu.memory_space<vmem_shared>>
    %dma_wait3A_358 = tpu.memref_slice %arg11[%dma_wait3A_347] : memref<3x!tpu.dma_semaphore, #tpu.memory_space<semaphore_mem>> -> memref<1x!tpu.dma_semaphore, #tpu.memory_space<semaphore_mem>>
    %dma_wait3A_359 = tpu.memref_squeeze %dma_wait3A_358 : memref<1x!tpu.dma_semaphore, #tpu.memory_space<semaphore_mem>> -> memref<!tpu.dma_semaphore, #tpu.memory_space<semaphore_mem>>
    tpu.wait_indirect_dma semaphore(%dma_wait3A_359 : memref<!tpu.dma_semaphore, #tpu.memory_space<semaphore_mem>>) src(%dma_wait3A_351 : memref<80x128xf32, #tpu.memory_space<vmem>>) dst(%dma_wait3A_357 : memref<10000x128xf32, #tpu.memory_space<vmem_shared>>)
    %barrier3A_360 = arith.constant 0 : index
    tpu.barrier barrier_id(%barrier3A_360)
    %mul3A_361 = arith.constant 10000 : i32
    %mul3A_362 = arith.muli %arg0, %mul3A_361 : i32
    %add3A_363 = arith.addi %mul3A_362, %multiple_of3A : i32
    "tpu.region"() ({
      %run_scoped3A = tpu.sem_alloc : memref<!tpu.dma_semaphore, #tpu.memory_space<semaphore_mem>>
      %dma_start3A_364 = arith.constant 0 : i32
      %dma_start3A_365 = tpu.memref_slice %arg5[%add3A_363, %dma_start3A_364] : memref<20000x128xf32, #tpu.memory_space<hbm>> -> memref<632x128xf32, #tpu.memory_space<hbm>>
      %dma_start3A_366 = arith.constant 0 : i32
      %dma_start3A_367 = tpu.memref_slice %arg8[%multiple_of3A, %dma_start3A_366] : memref<10000x128xf32, #tpu.memory_space<vmem_shared>> -> memref<632x128xf32, #tpu.memory_space<vmem_shared>>
      tpu.enqueue_dma source(%dma_start3A_367 : memref<632x128xf32, #tpu.memory_space<vmem_shared>>) target(%dma_start3A_365 : memref<632x128xf32, #tpu.memory_space<hbm>>) target_semaphore(%run_scoped3A : memref<!tpu.dma_semaphore, #tpu.memory_space<semaphore_mem>>)
      %dma_wait3A_368 = arith.constant 0 : i32
      %dma_wait3A_369 = tpu.memref_slice %arg5[%add3A_363, %dma_wait3A_368] : memref<20000x128xf32, #tpu.memory_space<hbm>> -> memref<632x128xf32, #tpu.memory_space<hbm>>
      %dma_wait3A_370 = arith.constant 0 : i32
      %dma_wait3A_371 = tpu.memref_slice %arg8[%multiple_of3A, %dma_wait3A_370] : memref<10000x128xf32, #tpu.memory_space<vmem_shared>> -> memref<632x128xf32, #tpu.memory_space<vmem_shared>>
      tpu.wait_dma2 semaphore(%run_scoped3A : memref<!tpu.dma_semaphore, #tpu.memory_space<semaphore_mem>>) src(%dma_wait3A_371 : memref<632x128xf32, #tpu.memory_space<vmem_shared>>) dst(%dma_wait3A_369 : memref<632x128xf32, #tpu.memory_space<hbm>>)
      tpu.yield
    }) : () -> ()
    return
  }
}

module attributes {stable_mosaic.version = 14 : i64} {
  func.func @body(%arg0: i32, %arg1: memref<4000x128xf32, #tpu.memory_space<vmem>>, %arg2: memref<4000x128xf32, #tpu.memory_space<vmem>>, %arg3: memref<128x384xf32, #tpu.memory_space<vmem>>, %arg4: memref<128x384xf32, #tpu.memory_space<vmem>>, %arg5: memref<2x384xf32, #tpu.memory_space<vmem>>, %arg6: memref<4000x128xf32, #tpu.memory_space<vmem>>) attributes {dimension_semantics = [#tpu.dimension_semantics<arbitrary>], iteration_bounds = array<i64: 5>, scalar_prefetch = 0 : i64, scratch_operands = 0 : i64, tpu.core_type = #tpu.core_type<tc>, window_params = [{transform_indices = @transform_0, window_bounds = array<i64: 4000, 128>}, {transform_indices = @transform_1, window_bounds = array<i64: 4000, 128>}, {pipeline_mode = #tpu.pipeline_mode<synchronous>, transform_indices = @transform_2, window_bounds = array<i64: 128, 384>}, {pipeline_mode = #tpu.pipeline_mode<synchronous>, transform_indices = @transform_3, window_bounds = array<i64: 128, 384>}, {pipeline_mode = #tpu.pipeline_mode<synchronous>, transform_indices = @transform_4, window_bounds = array<i64: 2, 384>}, {transform_indices = @transform_5, window_bounds = array<i64: 4000, 128>}]} {
    %get3A = arith.constant 0 : index
    %get3A_0 = arith.constant 0 : index
    %get3A_1 = vector.load %arg1[%get3A, %get3A_0] : memref<4000x128xf32, #tpu.memory_space<vmem>>, vector<4000x128xf32>
    %get3A_2 = arith.constant 0 : index
    %get3A_3 = arith.constant 0 : index
    %get3A_4 = vector.load %arg2[%get3A_2, %get3A_3] : memref<4000x128xf32, #tpu.memory_space<vmem>>, vector<4000x128xf32>
    %get3A_5 = arith.constant 0 : index
    %get3A_6 = arith.constant 0 : index
    %get3A_7 = vector.load %arg3[%get3A_5, %get3A_6] : memref<128x384xf32, #tpu.memory_space<vmem>>, vector<128x384xf32>
    %dot_general3A = arith.constant dense<0.000000e+00> : vector<4000x384xf32>
    %dot_general3A_8 = tpu.matmul %get3A_1, %get3A_7, %dot_general3A {dimension_numbers = #tpu.dot_dimension_numbers<[1], [0], [0], [1], [0, 0, 1, 1], [], []>, transpose_lhs_hint = false} : vector<4000x128xf32>, vector<128x384xf32>, vector<4000x384xf32> -> vector<4000x384xf32>
    %get3A_9 = arith.constant 0 : index
    %get3A_10 = arith.constant 0 : index
    %get3A_11 = vector.load %arg4[%get3A_9, %get3A_10] : memref<128x384xf32, #tpu.memory_space<vmem>>, vector<128x384xf32>
    %dot_general3A_12 = arith.constant dense<0.000000e+00> : vector<4000x384xf32>
    %dot_general3A_13 = tpu.matmul %get3A_4, %get3A_11, %dot_general3A_12 {dimension_numbers = #tpu.dot_dimension_numbers<[1], [0], [0], [1], [0, 0, 1, 1], [], []>, transpose_lhs_hint = false} : vector<4000x128xf32>, vector<128x384xf32>, vector<4000x384xf32> -> vector<4000x384xf32>
    %get3A_14 = arith.constant 0 : index
    %get3A_15 = arith.constant 0 : index
    %get3A_16 = vector.load %arg5[%get3A_14, %get3A_15] : memref<2x384xf32, #tpu.memory_space<vmem>>, vector<1x384xf32>
    %add3A = vector.broadcast %get3A_16 : vector<1x384xf32> to vector<4000x384xf32>
    %add3A_17 = arith.addf %dot_general3A_8, %add3A : vector<4000x384xf32>
    %get3A_18 = arith.constant 1 : index
    %get3A_19 = arith.constant 0 : index
    %get3A_20 = vector.load %arg5[%get3A_18, %get3A_19] : memref<2x384xf32, #tpu.memory_space<vmem>>, vector<1x384xf32>
    %add3A_21 = vector.broadcast %get3A_20 : vector<1x384xf32> to vector<4000x384xf32>
    %add3A_22 = arith.addf %dot_general3A_13, %add3A_21 : vector<4000x384xf32>
    %slice3A = vector.extract_strided_slice %add3A_17 {offsets = [0, 0], sizes = [4000, 128], strides = [1, 1]} : vector<4000x384xf32> to vector<4000x128xf32>
    %slice3A_23 = vector.extract_strided_slice %add3A_22 {offsets = [0, 0], sizes = [4000, 128], strides = [1, 1]} : vector<4000x384xf32> to vector<4000x128xf32>
    %add3A_24 = arith.addf %slice3A, %slice3A_23 : vector<4000x128xf32>
    %logistic3A = arith.negf %add3A_24 : vector<4000x128xf32>
    %logistic3A_25 = math.exp %logistic3A : vector<4000x128xf32>
    %logistic3A_26 = arith.constant 1.000000e+00 : f32
    %logistic3A_27 = vector.broadcast %logistic3A_26 : f32 to vector<4000x128xf32>
    %logistic3A_28 = arith.addf %logistic3A_27, %logistic3A_25 : vector<4000x128xf32>
    %logistic3A_29 = arith.divf %logistic3A_27, %logistic3A_28 : vector<4000x128xf32>
    %slice3A_30 = vector.extract_strided_slice %add3A_17 {offsets = [0, 128], sizes = [4000, 128], strides = [1, 1]} : vector<4000x384xf32> to vector<4000x128xf32>
    %slice3A_31 = vector.extract_strided_slice %add3A_22 {offsets = [0, 128], sizes = [4000, 128], strides = [1, 1]} : vector<4000x384xf32> to vector<4000x128xf32>
    %add3A_32 = arith.addf %slice3A_30, %slice3A_31 : vector<4000x128xf32>
    %logistic3A_33 = arith.negf %add3A_32 : vector<4000x128xf32>
    %logistic3A_34 = math.exp %logistic3A_33 : vector<4000x128xf32>
    %logistic3A_35 = arith.constant 1.000000e+00 : f32
    %logistic3A_36 = vector.broadcast %logistic3A_35 : f32 to vector<4000x128xf32>
    %logistic3A_37 = arith.addf %logistic3A_36, %logistic3A_34 : vector<4000x128xf32>
    %logistic3A_38 = arith.divf %logistic3A_36, %logistic3A_37 : vector<4000x128xf32>
    %slice3A_39 = vector.extract_strided_slice %add3A_17 {offsets = [0, 256], sizes = [4000, 128], strides = [1, 1]} : vector<4000x384xf32> to vector<4000x128xf32>
    %slice3A_40 = vector.extract_strided_slice %add3A_22 {offsets = [0, 256], sizes = [4000, 128], strides = [1, 1]} : vector<4000x384xf32> to vector<4000x128xf32>
    %mul3A = arith.mulf %logistic3A_38, %slice3A_40 : vector<4000x128xf32>
    %add3A_41 = arith.addf %slice3A_39, %mul3A : vector<4000x128xf32>
    %tanh3A = math.tanh %add3A_41 : vector<4000x128xf32>
    %mul3A_42 = arith.mulf %logistic3A_29, %get3A_4 : vector<4000x128xf32>
    %sub3A = arith.constant 1.000000e+00 : f32
    %sub3A_43 = vector.broadcast %sub3A : f32 to vector<4000x128xf32>
    %sub3A_44 = arith.subf %sub3A_43, %logistic3A_29 : vector<4000x128xf32>
    %mul3A_45 = arith.mulf %sub3A_44, %tanh3A : vector<4000x128xf32>
    %add3A_46 = arith.addf %mul3A_42, %mul3A_45 : vector<4000x128xf32>
    %swap3A = arith.constant 0 : index
    %swap3A_47 = arith.constant 0 : index
    %swap3A_48 = vector.load %arg6[%swap3A, %swap3A_47] : memref<4000x128xf32, #tpu.memory_space<vmem>>, vector<4000x128xf32>
    tpu.vector_store %arg6[%swap3A, %swap3A_47], %add3A_46 {strides = array<i32>} : memref<4000x128xf32, #tpu.memory_space<vmem>>, vector<4000x128xf32>,
    return
  }
  func.func @transform_0(%arg0: i32) -> (i32, i32) {
    %c0_i32 = arith.constant 0 : i32
    %c0_i32_0 = arith.constant 0 : i32
    return %arg0, %c0_i32 : i32, i32
  }
  func.func @transform_1(%arg0: i32) -> (i32, i32) {
    %c0_i32 = arith.constant 0 : i32
    %c0_i32_0 = arith.constant 0 : i32
    return %arg0, %c0_i32 : i32, i32
  }
  func.func @transform_2(%arg0: i32) -> (i32, i32) {
    %c0_i32 = arith.constant 0 : i32
    %c0_i32_0 = arith.constant 0 : i32
    %c0_i32_1 = arith.constant 0 : i32
    return %c0_i32, %c0_i32_0 : i32, i32
  }
  func.func @transform_3(%arg0: i32) -> (i32, i32) {
    %c0_i32 = arith.constant 0 : i32
    %c0_i32_0 = arith.constant 0 : i32
    %c0_i32_1 = arith.constant 0 : i32
    return %c0_i32, %c0_i32_0 : i32, i32
  }
  func.func @transform_4(%arg0: i32) -> (i32, i32) {
    %c0_i32 = arith.constant 0 : i32
    %c0_i32_0 = arith.constant 0 : i32
    %c0_i32_1 = arith.constant 0 : i32
    return %c0_i32, %c0_i32_0 : i32, i32
  }
  func.func @transform_5(%arg0: i32) -> (i32, i32) {
    %c0_i32 = arith.constant 0 : i32
    %c0_i32_0 = arith.constant 0 : i32
    return %arg0, %c0_i32 : i32, i32
  }
}

</mosaic_0001>

<sc_bundles>
// kernel: kernel.4.cloned.1.call-start
scs
__scs_entry_jumppad:
0x0: {  	(pc) =	sbr.rel $0x88, $3  }
0x1: {  	(tag) =	ssettag $0x0;
	lr =	simm.s32 $0x1  }
0x2: {  	[smem:$0x3F9B] =	sst lr;
	_ =	strace $0xD0000000  }
0x3: {  	_ = 	snop  }
0x4: {  	_ = 	snop  }
0x5: {  	_ = 	snop  }
0x6: {  	_ = 	snop  }
0x7: {  	_ = 	snop  }
__scs_overlays_trampoline_lowered:
0x8: {  	[smem:$0x3FAA] =	sst s0  }
0x9: {  	[smem:$0x3FAB] =	sst s1  }
0xa: {  	[smem:$0x3FAC] =	sst s2  }
0xb: {  	[smem:$0x3FAD] =	sst s3  }
0xc: {  	[smem:$0x3FAE] =	sst s4  }
0xd: {  	[smem:$0x3FAF] =	sst s5  }
0xe: {  	[smem:$0x3FB0] =	sst s6  }
0xf: {  	[smem:$0x3FB1] =	sst s7  }
0x10: {  	[smem:$0x3FB2] =	sst s8  }
0x11: {  	[smem:$0x3FB3] =	sst s9;
	s0 =	simm.s32 @!p0 $0x0  }
0x12: {  	s1 =	sld [smem:$0x3F99];
	s0 =	simm.s32 @p0 $0x1  }
0x13: {  	[smem:$0x3FB4] =	sst s0;
	s0 =	simm.s32 @!p1 $0x0  }
0x14: {  	s2 =	sld [smem:$0x3F98];
	s0 =	simm.s32 @p1 $0x1  }
0x15: {  	[smem:$0x3FB5] =	sst s0;
	s0 =	simm.s32 @!p2 $0x0  }
0x16: {  	s3 =	sld [smem:$0x3FDB];
	s0 =	simm.s32 @p2 $0x1  }
0x17: {  	s4 =	simm.s32 $0x1BF5;
	[smem:$0x3FB7] =	sst s0  }
0x18: {  	s0 =	sld [smem:$0x3F9A];
	_ =	swait.ge [sflag:s4], $0x0  }
0x19: {  	s7 =	sld [smem:$0x3F9B]  }
0x1a: {  	s8 =	sadd.s32 $0xFFFFE003, lr  }
0x1b: {  	s9 =	sadd.s32 $0xFFFFFEF7, lr;
	s5 =	simm.s32 $0xFFFFFFFF;
	p2 =	slt.u32 s8, $0xFFFFF086  }
0x1c: {  	p1 =	slt.u32 s9, $0xF7A;
	s5 =	simm.s32 @!p2 $0x0  }
0x1d: {  	s5 =	simm.s32 @p1 $0x1;
	p0 =	seq.s32 s7, s2  }
0x1e: {  	s7 =	smul.u32 @!p0 $0xF7A, s2;
	p2 =	seq.s32 @!p0 s5, $0x0  }
0x1f: {  	s9 =	smul.u32 $0xF7A, s1;
	s8 =	simm.s32 @!p0 $0x1BF5;
	p2 =	por !p2, p0  }
0x20: {  	[sflag:s8] =	ssyncset.s32 @!p0 $0xFFFFF086;
	s6 =	sadd.s32 @!p0 s3, s7;
	s7 =	simm.s32 @!p0 $0x108  }
0x21: {  	s3 =	sadd.s32 s3, s9;
	s6 =	sadd.s32 @!p0 $0x88, s6;
	s7 =	simm.s32 @p2 $0x1082  }
0x22: {  	[simem:s7], [sflag:s8] =	dma.local @!p0 [hbm:s6], $0xF7A  }
0x23: {  	s9 =	sor.u32 $0xD0000000, s2;
	s6 =	simm.s32 $0x108;
	_ =	swait.ge @!p0 [sflag:s8], $0x0  }
0x24: {  	s3 =	sadd.s32 $0x88, s3;
	s6 =	simm.s32 @!p1 $0x1082;
	[sflag:s4] =	ssyncset.s32 $0xFFFFF086  }
0x25: {  	[simem:s6], [sflag:s4] =	dma.local [hbm:s3], $0xF7A  }
0x26: {  	[smem:$0x3F9B] =	sst s1;
	(tag) =	ssettag s2;
	_ =	strace s9  }
0x27: {  	s1 =	sld [smem:$0x3FAB]  }
0x28: {  	s2 =	sld [smem:$0x3FAC]  }
0x29: {  	s4 =	sld [smem:$0x3FAE]  }
0x2a: {  	p0 =	seq.s32 s5, $0x0;
	s5 =	sld [smem:$0x3FAF]  }
0x2b: {  	s6 =	sld [smem:$0x3FB0]  }
0x2c: {  	s7 =	sld [smem:$0x3FB1]  }
0x2d: {  	s3 =	simm.s32 $0x108;
	s8 =	sld [smem:$0x3FB2]  }
0x2e: {  	s3 =	simm.s32 @!p0 $0x1082;
	s9 =	sld [smem:$0x3FB3]  }
0x2f: {  	lr =	sadd.s32 s0, s3;
	s0 =	sld [smem:$0x3FAA]  }
0x30: {  	s3 =	sld [smem:$0x3FAD]  }
0x31: {  	[smem:$0x3FB6] =	sst s10  }
0x32: {  	s10 =	sld [smem:$0x3FB4];
	_ =	sdelay $0x3  }
0x33: {  	p0 =	seq.s32 s10, $0x1;
	s10 =	sld [smem:$0x3FB6];
	_ =	sdelay $0x3  }
0x34: {  	[smem:$0x3FB6] =	sst s10  }
0x35: {  	s10 =	sld [smem:$0x3FB5];
	_ =	sdelay $0x3  }
0x36: {  	p1 =	seq.s32 s10, $0x1;
	s10 =	sld [smem:$0x3FB6];
	_ =	sdelay $0x3  }
0x37: {  	[smem:$0x3FB6] =	sst s10  }
0x38: {  	s10 =	sld [smem:$0x3FB7]  }
0x39: {  	_ = 	snop;
	(pc) =	sbr.ind lr, $3  }
0x3a: {  	_ = 	snop  }
0x3b: {  	_ = 	snop  }
0x3c: {  	p2 =	seq.s32 s10, $0x1;
	s10 =	sld [smem:$0x3FB6]  }
0x3d: {  	_ =	shalt  }
0x3e: {  	_ =	shalt  }
0x3f: {  	_ =	shalt  }
0x40: {  	_ =	shalt  }
0x41: {  	_ =	shalt  }
0x42: {  	_ =	shalt  }
0x43: {  	_ =	shalt  }
0x44: {  	_ =	shalt  }
0x45: {  	_ =	shalt  }
0x46: {  	_ =	shalt  }
0x47: {  	_ =	shalt  }
0x48: {  	_ =	shalt  }
0x49: {  	_ =	shalt  }
0x4a: {  	_ =	shalt  }
0x4b: {  	_ =	shalt  }
0x4c: {  	_ =	shalt  }
0x4d: {  	_ =	shalt  }
0x4e: {  	_ =	shalt  }
0x4f: {  	_ =	shalt  }
0x50: {  	_ =	shalt  }
0x51: {  	_ =	shalt  }
0x52: {  	_ =	shalt  }
0x53: {  	_ =	shalt  }
0x54: {  	_ =	shalt  }
0x55: {  	_ =	shalt  }
0x56: {  	_ =	shalt  }
0x57: {  	_ =	shalt  }
0x58: {  	_ =	shalt  }
0x59: {  	_ =	shalt  }
0x5a: {  	_ =	shalt  }
0x5b: {  	_ =	shalt  }
0x5c: {  	_ =	shalt  }
0x5d: {  	_ =	shalt  }
0x5e: {  	_ =	shalt  }
0x5f: {  	_ =	shalt  }
0x60: {  	_ =	shalt  }
0x61: {  	_ =	shalt  }
0x62: {  	_ =	shalt  }
0x63: {  	_ =	shalt  }
0x64: {  	_ =	shalt  }
0x65: {  	_ =	shalt  }
0x66: {  	_ =	shalt  }
0x67: {  	_ =	shalt  }
0x68: {  	_ =	shalt  }
0x69: {  	_ =	shalt  }
0x6a: {  	_ =	shalt  }
0x6b: {  	_ =	shalt  }
0x6c: {  	_ =	shalt  }
0x6d: {  	_ =	shalt  }
0x6e: {  	_ =	shalt  }
0x6f: {  	_ =	shalt  }
0x70: {  	_ =	shalt  }
0x71: {  	_ =	shalt  }
0x72: {  	_ =	shalt  }
0x73: {  	_ =	shalt  }
0x74: {  	_ =	shalt  }
0x75: {  	_ =	shalt  }
0x76: {  	_ =	shalt  }
0x77: {  	_ =	shalt  }
0x78: {  	_ =	shalt  }
0x79: {  	_ =	shalt  }
0x7a: {  	_ =	shalt  }
0x7b: {  	_ =	shalt  }
0x7c: {  	_ =	shalt  }
0x7d: {  	_ =	shalt  }
0x7e: {  	_ =	shalt  }
0x7f: {  	_ =	shalt  }
0x80: {  	_ =	shalt  }
0x81: {  	_ =	shalt  }
0x82: {  	_ =	shalt  }
0x83: {  	_ =	shalt  }
0x84: {  	_ =	shalt  }
0x85: {  	_ =	shalt  }
0x86: {  	_ =	shalt  }
0x87: {  	_ =	shalt  }
.Lfunc_end0:
.L_simem_size_0:
called_computation_lowered:
.L_overlay_start_0:
0x88: {  	s2 =	sld [smem:$0x3FD9]  }
0x89: {  	s3 =	sld [smem:$0x3FFE];
	_ =	sdelay $0x1  }
0x8a: {  	s1 =	srdreg.scid  }
0x8b: {  	s0 =	sand.u32 $0x1, s1  }
0x8c: {  	s17 =	sshll.u32 s0, $0xA;
	s2 =	sadd.s32 s3, s2  }
0x8d: {  	s2 =	sadd.s32 s2, s17  }
0x8e: {  	[smem:$0x3FC2] =	sst s2  }
0x8f: {  	_ = 	snop  }
0x90: {  	s2 =	sld [smem:$0x3FC8]  }
0x91: {  	s18 =	sld [smem:$0x3FD0];
	(tm) =	ssettm $0x1  }
0x92: {  	s4 =	sld [smem:$0x3FFB];
	_ =	sdelay $0x3  }
0x93: {  	_ =	strace s4  }
0x94: {  	s4 =	sld [smem:$0x3FFC];
	_ =	sdelay $0x3  }
0x95: {  	_ =	strace s4  }
0x96: {  	s4 =	sld [smem:$0x3FFD];
	_ =	sdelay $0x3  }
0x97: {  	_ =	strace s4  }
0x98: {  	_ =	strace $0x8FFFFFFF  }
0x99: {  	s19 =	sld [smem:$0x3FDB];
	_ =	sdelay $0x1  }
0x9a: {  	s5 =	simm.s32 $_scs_section_size  }
0x9b: {  	s6 =	simm.s32 $_size__tile_overlayer_lowered;
	s7 =	simm.s32 $_tile_overlayer_lowered  }
0x9c: {  	s22 =	simm.s32 $0x1BFF;
	s21 =	sshll.u32 s7, $0x1;
	s4 =	sadd.s32 s5, s19  }
0x9d: {  	s8 =	simm.s32 $0x0;
	s20 =	sshll.u32 s6, $0x1;
	s6 =	sadd.s32 s21, s4  }
0x9e: {  	[timem:s8], [sflag:s22] =	dma.local [hbm:s6], s20  }
0x9f: {  	_ =	swait.ge [sflag:s22], s20  }
0xa0: {  	s5 =	ssub.s32 $0x0, s20;
	[sflag:s22] =	ssyncset.done $0x0  }
0xa1: {  	[sflag:s22] =	ssyncadd.s32 s5;
	_ =	sdelay $0x1  }
0xa2: {  	s23 =	simm.s32 $0x1B8B  }
0xa3: {  	_ =	swait.ge [sflag:s23], $0x1  }
0xa4: {  	[sflag:s23] =	ssyncset.done $0x0  }
0xa5: {  	s25 =	simm.s32 $0x1B8E;
	s24 =	sld [smem:$0x3FFE];
	[sflag:s23] =	ssyncadd.s32 $0xFFFFFFFF  }
0xa6: {  	s26 =	simm.s32 $execute0_lowered;
	[smem:$0x3FD2] =	sst s25  }
0xa7: {  	s6 =	sshll.u32 s26, $0x1;
	_ =	strace $0x80000046;
	[dreg:$0x1] =	wrdreg $0xFFFFFFFF  }
0xa8: {  	s28 =	simm.s32 $_size_execute0_lowered;
	s4 =	sadd.s32 s4, s6;
	[dreg:$0x0] =	wrdreg $0x0  }
0xa9: {  	s6 =	sshll.u32 s28, $0x1;
	[dreg:$0x2] =	wrdreg s4  }
0xaa: {  	[dreg:$0x3] =	wrdreg s6  }
0xab: {  	[dreg:$0x4] =	wrdreg $0xC0  }
0xac: {  	_ =	task [dreg:s8], $0x5FFFF  }
0xad: {  	[dreg:$0x1] =	wrdreg $0xFFFFFFFF  }
0xae: {  	[dreg:$0x0] =	wrdreg $0x60  }
0xaf: {  	[dreg:$0x2] =	wrdreg s2  }
0xb0: {  	[dreg:$0x3] =	wrdreg s24  }
0xb1: {  	[dreg:$0x4] =	wrdreg s18  }
0xb2: {  	[dreg:$0x5] =	wrdreg $0xB8000  }
0xb3: {  	[dreg:$0x6] =	wrdreg $0x9  }
0xb4: {  	_ =	task.clear_ibuf [dreg:s8], $0x7FFFF;
	_ =	strace $0x90000046  }
0xb5: {  	s29 =	simm.s32 $0x9;
	_ =	strace $0x80000048  }
0xb6: {  	_ =	swait.ge [sflag:s29], $0x1  }
0xb7: {  	[sflag:s29] =	ssyncadd.s32 $0xFFFFFFFF  }
0xb8: {  	_ =	strace $0x90000048  }
0xb9: {  	_ =	sfence  }
0xba: {  	s30 =	sld [smem:$0x0];
	_ =	sdelay $0x2  }
0xbb: {  	s31 =	sshll.u32 s1, $0xD;
	s1 =	sshrl.u32 s1, $0x2  }
0xbc: {  	s3 =	sand.u32 $0x4000, s31;
	s1 =	sadd.s32 s1, s30  }
0xbd: {  	s0 =	sor.u32 s3, s0;
	s1 =	sshll.u32 s1, $0x11  }
0xbe: {  	s0 =	sor.u32 s1, s0  }
0xbf: {  	s0 =	sadd.s32 $0x8F2B, s0  }
0xc0: {  	[sflag:s0] =	ssyncadd.remote.s32 $0x1  }
0xc1: {  	_ =	sfence.sel $0xFFFF  }
0xc2: {  	[dreg:$0x0] =	wrdreg $0xFFFFFFFF;
	(pc) =	sbr.abs _section_cstart, $3  }
0xc3: {  	[dreg:$0x1] =	wrdreg $0xFFFFFFFF  }
0xc4: {  	_ =	task.clear_ibuf [dreg:s8], $0x2FFFF;
	_ =	strace $0x9FFFFFFF  }
0xc5: {  	(tm) =	ssettm $0x7FFFFFFF  }
tec
execute0_lowered:
.L_overlay_start_1:
0x0: {  	(tag) =	ssettag $0x1  }
0x1: {  	s0 =	rddreg [dreg:$0x0]  }
0x2: {  	s1 =	rddreg [dreg:$0x1]  }
0x3: {  	s12 =	rddreg [dreg:$0x2]  }
0x4: {  	s2 =	rddreg [dreg:$0x3];
	s3 =	simm.s32 $0x0;
	s16 =	stileid.u32  }
0x5: {  	s5 =	srdreg.scid;
	s17 =	simm.s32 $0x4000;
	s18 =	simm.s32 $0x6800  }
0x6: {  	s19 =	simm.s32 $0x1;
	s20 =	simm.s32 $0x2;
	s21 =	simm.s32 $0x50  }
0x7: {  	s22 =	simm.s32 $0x9000;
	s29 =	simm.s32 $0x6;
	s23 =	smul.u32 $0x278, s16  }
0x8: {  	[smem:$0x7FF] =	sst s3;
	s4 =	sshll.u32 s16, $0xB;
	s11 =	smul.u32 $0x2710, s16  }
0x9: {  	s10 =	sand.u32 $0x1, s5;
	s28 =	sshll.u32 s16, $0x6;
	s16 =	smul.u32 $0x27100, s16  }
0xa: {  	s30 =	simm.s32 $0x7;
	_ =	strace $0x80000047;
	s7 =	smul.u32 $0x27100, s10  }
0xb: {  	s6 =	sadd.s32 s4, s1;
	s4 =	sadd.s32 $0x10A00, s1;
	s31 =	smul.u32 $0x2710, s10  }
0xc: {  	s24 =	ssub.s32 $0x2, s10;
	s9 =	sshll.u32 s10, $0xF;
	s14 =	smul.u32 $0x271000, s10  }
0xd: {  	s8 =	sshrl.u32 s24, $0x1;
	s13 =	smin.u32 s23, $0x2498;
	s25 =	sadd.s32 s9, s6  }
0xe: {  	s6 =	sor.u32 $0x1C08, s28;
	s23 =	simm.s32 $0x3;
	s1 =	ssub.s32 s24, s8  }
0xf: {  	s5 =	sadd.s32 $0xA00, s25;
	s26 =	sshll.u32 s13, $0x7;
	s7 =	sadd.s32 s11, s7  }
0x10: {  	s13 =	sadd.s32 s31, s13;
	s25 =	simm.s32 $0x5;
	s15 =	sadd.s32 s26, s2  }
0x11: {  	s7 =	sshll.u32 s7, $0x4;
	s13 =	sshll.u32 s13, $0x4;
	s26 =	simm.s32 $0x4  }
0x12: {  	s7 =	sadd.s32 s0, s7;
	s0 =	sadd.s32 s14, s0;
	s12 =	sadd.s32 s12, s13  }
0x13: {  	s13 =	smax.u32 s1, $0x1;
	s15 =	sshrl.u32 s15, $0x3;
	s1 =	simm.s32 $0x0  }
0x14: {  	s8 =	sadd.s32 $0x500, s7;
	s9 =	sadd.s32 $0xA00, s7;
	s10 =	sadd.s32 $0xF00, s7  }
0x15: {  	s11 =	sadd.s32 $0x1400, s7;
	s14 =	sadd.s32 s16, s0;
	s16 =	simm.s32 $0x8  }
.LBB2_1:
0x16: {  	[tilespmem:s3], [sflag:$0x1] =	stream.linear.gather [hbm4b:s5+s3], $0x3E80, $0x38;
	[tilespmem:$0x1F080] =	vst v63  }
0x17: {  	[spmem:s15], [sflag:s6] =	dma.local [hbm:s4], $0x2780  }
0x18: {  	_ =	swait.ge [sflag:s16], $0x2780  }
0x19: {  	[sflag:s16] =	ssyncset.done $0x0  }
0x1a: {  	[sflag:s16] =	ssyncadd.s32 $0xFFFFD880  }
0x1b: {  	[tilespmem:s17], [sflag:$0x2] =	stream.linear.gather [hbm4b:s7+s3], $0x2800, $0x38;
	[tilespmem:$0x1F080] =	vst v63  }
0x1c: {  	_ = 	snop  }
0x1d: {  	[tilespmem:s18], [sflag:$0x3] =	stream.linear.gather [hbm4b:s8+s3], $0x2800, $0x38;
	[tilespmem:$0x1F080] =	vst v63  }
0x1e: {  	_ =	swait.ge [sflag:s19], $0x3E80  }
0x1f: {  	[sflag:s19] =	ssyncset.done $0x0  }
0x20: {  	[sflag:s19] =	ssyncadd.s32 $0xFFFFC180  }
0x21: {  	[bflag:$0x0] =	sbarrier.arrive $0xFFFF  }
0x22: {  	_ =	swait.ge [sflag:s20], $0x2800  }
0x23: {  	[sflag:s20] =	ssyncset.done $0x0  }
0x24: {  	[sflag:s20] =	ssyncadd.s32 $0xFFFFD800  }
0x25: {  	[spmem:s2] =	stream.indirect.scatter.add.f32 [tilespmem:s17], [sflag:$0x5], $0x80, s3, s21, $0xb8;
	[tilespmem:$0x1F080] =	vst v63  }
0x26: {  	_ = 	snop  }
0x27: {  	[tilespmem:s22], [sflag:$0x4] =	stream.linear.gather [hbm4b:s9+s3], $0x2800, $0x38;
	[tilespmem:$0x1F080] =	vst v63  }
0x28: {  	_ =	swait.ge [sflag:s23], $0x2800  }
0x29: {  	[sflag:s23] =	ssyncset.done $0x0  }
0x2a: {  	s0 =	simm.s32 $0x80;
	[sflag:s23] =	ssyncadd.s32 $0xFFFFD800  }
0x2b: {  	[spmem:s2] =	stream.indirect.scatter.add.f32 [tilespmem:s18], [sflag:$0x6], $0x80, s0, s21, $0xb8;
	[tilespmem:$0x1F080] =	vst v63  }
0x2c: {  	_ =	swait.ge [sflag:s25], $0x2800  }
0x2d: {  	[sflag:s25] =	ssyncset.done $0x0  }
0x2e: {  	[sflag:s25] =	ssyncadd.s32 $0xFFFFD800  }
0x2f: {  	[tilespmem:s17], [sflag:$0x2] =	stream.linear.gather [hbm4b:s10+s3], $0x2800, $0x38;
	[tilespmem:$0x1F080] =	vst v63  }
0x30: {  	_ =	swait.ge [sflag:s26], $0x2800  }
0x31: {  	[sflag:s26] =	ssyncset.done $0x0  }
0x32: {  	s24 =	simm.s32 $0x100;
	[sflag:s26] =	ssyncadd.s32 $0xFFFFD800  }
0x33: {  	[spmem:s2] =	stream.indirect.scatter.add.f32 [tilespmem:s22], [sflag:$0x7], $0x80, s24, s21, $0xb8;
	[tilespmem:$0x1F080] =	vst v63  }
0x34: {  	_ =	swait.ge [sflag:s29], $0x2800  }
0x35: {  	[sflag:s29] =	ssyncset.done $0x0  }
0x36: {  	[sflag:s29] =	ssyncadd.s32 $0xFFFFD800  }
0x37: {  	[tilespmem:s18], [sflag:$0x3] =	stream.linear.gather [hbm4b:s11+s3], $0x2800, $0x38;
	[tilespmem:$0x1F080] =	vst v63  }
0x38: {  	_ =	swait.ge [sflag:s20], $0x2800  }
0x39: {  	[sflag:s20] =	ssyncset.done $0x0  }
0x3a: {  	s24 =	simm.s32 $0x180;
	[sflag:s20] =	ssyncadd.s32 $0xFFFFD800  }
0x3b: {  	[spmem:s2] =	stream.indirect.scatter.add.f32 [tilespmem:s17], [sflag:$0x5], $0x80, s24, s21, $0xb8;
	[tilespmem:$0x1F080] =	vst v63  }
0x3c: {  	_ =	swait.ge [sflag:s30], $0x2800  }
0x3d: {  	s28 =	sadd.s32 $0x0, s14;
	[sflag:s30] =	ssyncset.done $0x0  }
0x3e: {  	s0 =	sadd.s32 $0x1900, s28;
	[sflag:s30] =	ssyncadd.s32 $0xFFFFD800  }
0x3f: {  	[tilespmem:s22], [sflag:$0x4] =	stream.linear.gather [hbm4b:s0+s3], $0x2800, $0x38;
	[tilespmem:$0x1F080] =	vst v63  }
0x40: {  	_ =	swait.ge [sflag:s23], $0x2800  }
0x41: {  	[sflag:s23] =	ssyncset.done $0x0  }
0x42: {  	s0 =	simm.s32 $0x200;
	[sflag:s23] =	ssyncadd.s32 $0xFFFFD800  }
0x43: {  	[spmem:s2] =	stream.indirect.scatter.add.f32 [tilespmem:s18], [sflag:$0x6], $0x80, s0, s21, $0xb8;
	[tilespmem:$0x1F080] =	vst v63  }
0x44: {  	_ =	swait.ge [sflag:s25], $0x2800  }
0x45: {  	[sflag:s25] =	ssyncset.done $0x0  }
0x46: {  	s0 =	sadd.s32 $0x1E00, s28;
	[sflag:s25] =	ssyncadd.s32 $0xFFFFD800  }
0x47: {  	[tilespmem:s17], [sflag:$0x2] =	stream.linear.gather [hbm4b:s0+s3], $0x2800, $0x38;
	[tilespmem:$0x1F080] =	vst v63  }
0x48: {  	_ =	swait.ge [sflag:s26], $0x2800  }
0x49: {  	[sflag:s26] =	ssyncset.done $0x0  }
0x4a: {  	s0 =	simm.s32 $0x280;
	[sflag:s26] =	ssyncadd.s32 $0xFFFFD800  }
0x4b: {  	[spmem:s2] =	stream.indirect.scatter.add.f32 [tilespmem:s22], [sflag:$0x7], $0x80, s0, s21, $0xb8;
	[tilespmem:$0x1F080] =	vst v63  }
0x4c: {  	_ =	swait.ge [sflag:s29], $0x2800  }
0x4d: {  	s31 =	sadd.s32 $0x2300, s28;
	[sflag:s29] =	ssyncset.done $0x0  }
0x4e: {  	s24 =	simm.s32 $0xF00;
	s28 =	simm.s32 $0x400;
	[sflag:s29] =	ssyncadd.s32 $0xFFFFD800  }
.LBB2_2:
0x4f: {  	[tilespmem:s18], [sflag:$0x3] =	stream.linear.gather [hbm4b:s31+s3], $0x2800, $0x38;
	[tilespmem:$0x1F080] =	vst v63  }
0x50: {  	s31 =	smov.u32 s24  }
0x51: {  	p0 =	sne.s32 s24, $0x24900;
	s24 =	sadd.s32 $0xF00, s24;
	_ =	swait.ge [sflag:s20], $0x2800  }
0x52: {  	[sflag:s20] =	ssyncset.done $0x0  }
0x53: {  	s0 =	sadd.s32 $0xFFFFFF00, s28;
	[sflag:s20] =	ssyncadd.s32 $0xFFFFD800  }
0x54: {  	[spmem:s2] =	stream.indirect.scatter.add.f32 [tilespmem:s17], [sflag:$0x5], $0x80, s0, s21, $0xb8;
	[tilespmem:$0x1F080] =	vst v63  }
0x55: {  	_ =	swait.ge [sflag:s30], $0x2800  }
0x56: {  	s0 =	sadd.s32 s31, s14;
	[sflag:s30] =	ssyncset.done $0x0  }
0x57: {  	s31 =	sadd.s32 $0x1900, s0;
	[sflag:s30] =	ssyncadd.s32 $0xFFFFD800  }
0x58: {  	[tilespmem:s22], [sflag:$0x4] =	stream.linear.gather [hbm4b:s31+s3], $0x2800, $0x38;
	[tilespmem:$0x1F080] =	vst v63  }
0x59: {  	_ =	swait.ge [sflag:s23], $0x2800  }
0x5a: {  	[sflag:s23] =	ssyncset.done $0x0  }
0x5b: {  	s31 =	sadd.s32 $0xFFFFFF80, s28;
	[sflag:s23] =	ssyncadd.s32 $0xFFFFD800  }
0x5c: {  	[spmem:s2] =	stream.indirect.scatter.add.f32 [tilespmem:s18], [sflag:$0x6], $0x80, s31, s21, $0xb8;
	[tilespmem:$0x1F080] =	vst v63  }
0x5d: {  	_ =	swait.ge [sflag:s25], $0x2800  }
0x5e: {  	[sflag:s25] =	ssyncset.done $0x0  }
0x5f: {  	s31 =	sadd.s32 $0x1E00, s0;
	[sflag:s25] =	ssyncadd.s32 $0xFFFFD800  }
0x60: {  	[tilespmem:s17], [sflag:$0x2] =	stream.linear.gather [hbm4b:s31+s3], $0x2800, $0x38;
	[tilespmem:$0x1F080] =	vst v63  }
0x61: {  	_ =	swait.ge [sflag:s26], $0x2800  }
0x62: {  	[sflag:s26] =	ssyncset.done $0x0  }
.Ltmp0:
0x63: {  	[sflag:s26] =	ssyncadd.s32 $0xFFFFD800;
	(pc) =	sbr.rel @p0 .LBB2_2-.Ltmp0, $4  }
0x64: {  	[spmem:s2] =	stream.indirect.scatter.add.f32 [tilespmem:s22], [sflag:$0x7], $0x80, s28, s21, $0xb8;
	[tilespmem:$0x1F080] =	vst v63  }
0x65: {  	_ =	swait.ge [sflag:s29], $0x2800  }
0x66: {  	[sflag:s29] =	ssyncset.done $0x0  }
0x67: {  	s31 =	sadd.s32 $0x2300, s0;
	s28 =	sadd.s32 $0x180, s28;
	[sflag:s29] =	ssyncadd.s32 $0xFFFFD800  }
0x68: {  	[tilespmem:s18], [sflag:$0x3] =	stream.linear.gather [hbm4b:s31+s3], $0x2800, $0x38;
	[tilespmem:$0x1F080] =	vst v63  }
0x69: {  	_ =	swait.ge [sflag:s20], $0x2800  }
0x6a: {  	[sflag:s20] =	ssyncset.done $0x0  }
0x6b: {  	s0 =	simm.s32 $0x3D80;
	[sflag:s20] =	ssyncadd.s32 $0xFFFFD800  }
0x6c: {  	[spmem:s2] =	stream.indirect.scatter.add.f32 [tilespmem:s17], [sflag:$0x5], $0x80, s0, s21, $0xb8;
	[tilespmem:$0x1F080] =	vst v63  }
0x6d: {  	_ =	swait.ge [sflag:s30], $0x2800  }
0x6e: {  	[sflag:s30] =	ssyncset.done $0x0  }
0x6f: {  	[sflag:s30] =	ssyncadd.s32 $0xFFFFD800  }
0x70: {  	_ =	swait.ge [sflag:s23], $0x2800  }
0x71: {  	[sflag:s23] =	ssyncset.done $0x0  }
0x72: {  	s31 =	simm.s32 $0x3E00;
	[sflag:s23] =	ssyncadd.s32 $0xFFFFD800  }
0x73: {  	[spmem:s2] =	stream.indirect.scatter.add.f32 [tilespmem:s18], [sflag:$0x6], $0x80, s31, s21, $0xb8;
	[tilespmem:$0x1F080] =	vst v63  }
0x74: {  	_ =	swait.ge [sflag:s25], $0x2800  }
0x75: {  	[sflag:s25] =	ssyncset.done $0x0  }
0x76: {  	[sflag:s25] =	ssyncadd.s32 $0xFFFFD800  }
0x77: {  	_ =	swait.ge [sflag:s29], $0x2800  }
0x78: {  	s1 =	sadd.s32 $0x1, s1;
	[sflag:s29] =	ssyncset.done $0x0  }
0x79: {  	p0 =	sne.s32 s1, s13;
	[sflag:s29] =	ssyncadd.s32 $0xFFFFD800  }
.Ltmp1:
0x7a: {  	[bflag:$0x0] =	sbarrier.arrive $0xFFFF;
	(pc) =	sbr.rel @p0 .LBB2_1-.Ltmp1, $4  }
0x7b: {  	[hbm:s12], [sflag:s6] =	dma.local [spmem:s15], $0x2780  }
0x7c: {  	_ =	swait.ge [sflag:s16], $0x2780  }
0x7d: {  	[sflag:s16] =	ssyncset.done $0x0  }
0x7e: {  	[sflag:s16] =	ssyncadd.s32 $0xFFFFD880  }
0x7f: {  	_ =	sfence.sel $0x180000  }
0x80: {  	[bflag:$0x0] =	sbarrier.arrive $0xFFFF  }
0x81: {  	_ =	strace $0x90000047  }
0x82: {  	s0 =	stileid.u32;
	[bflag:$0x2] =	sbarrier.arrive $0xFFFF  }
0x83: {  	p0 =	sne.s32 s0, $0x0;
	s0 =	rddreg [dreg:$0x4]  }
0x84: {  	s0 =	sadd.s32 @!p0 $0x100000, s0  }
0x85: {  	[sflag:s0] =	ssyncadd.tile.s32 @!p0 $0x1;
	_ =	shalt  }
.Lfunc_end2:
_tile_overlayer_lowered:
.L_overlay_start_2:
0x86: {  	(tag) =	ssettag $0x2  }
0x87: {  	s0 =	rddreg [dreg:$0x0];
	s2 =	stileid.u32  }
0x88: {  	s1 =	rddreg [dreg:$0x1];
	p0 =	sne.s32 s2, $0x0  }
0x89: {  	s3 =	rddreg [dreg:$0x2];
	[bflag:$0x3] =	sbarrier.arrive $0xFFFF;
	s2 =	simm.s32 @!p0 $0x1C08  }
0x8a: {  	[timem:s3], [sflag:s2] =	dma.local @!p0 [hbm:s0], s1  }
0x8b: {  	s0 =	simm.s32 @!p0 $0x8  }
0x8c: {  	_ =	swait.ge @!p0 [sflag:s0], s1  }
0x8d: {  	s1 =	ssub.s32 @!p0 $0x0, s1;
	[sflag:s0] =	ssyncset.done @!p0 $0x0  }
0x8e: {  	[sflag:s0] =	ssyncadd.s32 @!p0 s1  }
0x8f: {  	[bflag:$0x3] =	sbarrier.arrive $0xFFFF  }
0x90: {  	_ =	shalt  }

</sc_bundles>
